<compile_context>
chip_gen: v7x
topology: tpu7x:2x2x1
jax: 0.10.2.dev20260603
libtpu: 0.0.44.dev20260713+nightly
codegen_flags: <defaults>
</compile_context>

<pallas_src>
import functools

import jax
import jax.numpy as jnp
from jax import lax
from jax.experimental import pallas as pl
from jax.experimental.pallas import tpu as pltpu
from jax.experimental.pallas import tpu_sc as plsc

_BATCH = 16384
_NC = 1
_NS = 16
_LANES = 16
_NW = _NC * _NS
_BPW = _BATCH // _NW
_NCH = 1
_CH = _BPW // _NCH

_mesh = plsc.VectorSubcoreMesh(
    core_axis_name="c", subcore_axis_name="s", num_cores=_NC)


@functools.partial(
    pl.kernel,
    out_type=jax.ShapeDtypeStruct((_BATCH,), jnp.float32),
    mesh=_mesh,
    scratch_types=[
        [pltpu.VMEM((_CH,), jnp.int32)] * _NCH,
        [pltpu.VMEM((_CH,), jnp.int32)] * _NCH,
        [pltpu.VMEM((_CH,), jnp.float32)] * _NCH,
        [pltpu.VMEM((_CH,), jnp.float32)] * _NCH,
        [pltpu.SemaphoreType.DMA] * _NCH,
        [pltpu.SemaphoreType.DMA] * _NCH,
        pltpu.SemaphoreType.DMA,
    ],
)
def _degree_score(chem_ids, dis_ids, chem_deg, dis_deg, out,
                  idx_c, idx_d, val_c, val_d, sem_i, sem_g, sem_o):
    wid = lax.axis_index("s") * _NC + lax.axis_index("c")
    base = wid * _BPW

    idx_copies = []
    for h in range(_NCH):
        src = pl.ds(base + h * _CH, _CH)
        idx_copies.append(
            (pltpu.async_copy(chem_ids.at[src], idx_c[h], sem_i[h]),
             pltpu.async_copy(dis_ids.at[src], idx_d[h], sem_i[h])))

    gathers = []
    for h in range(_NCH):
        for cp in idx_copies[h]:
            cp.wait()
        gathers.append(
            (pltpu.async_copy(chem_deg.at[idx_c[h]], val_c[h], sem_g[h]),
             pltpu.async_copy(dis_deg.at[idx_d[h]], val_d[h], sem_g[h])))

    out_copies = []
    for h in range(_NCH):
        for cp in gathers[h]:
            cp.wait()
        for i in range(_CH // _LANES):
            s = pl.ds(i * _LANES, _LANES)
            val_c[h][s] = val_c[h][s] + val_d[h][s]
        out_copies.append(pltpu.async_copy(
            val_c[h], out.at[pl.ds(base + h * _CH, _CH)], sem_o))
    for cp in out_copies:
        cp.wait()


def kernel(chem_ids, dis_ids, chem_deg, dis_deg):
    return _degree_score(chem_ids, dis_ids, chem_deg, dis_deg)

# --- scband reference (transcript-rebuilt; emitter-appended) ---
"""Pipeline reference for scband-degree-popularity-baseline-27685359190061 (READ-ONLY COPY).

The authoritative reference and input builder live on the scoring server;
editing this copy changes nothing except your own understanding.
"""

import jax, jax.numpy as jnp
import numpy as np

NUM_CHEM = 100000
NUM_DIS = 100000
BATCH = 16384


def setup_inputs(seed: int = 0) -> dict:
    key = jax.random.key(seed)
    k1, k2, k3, k4 = jax.random.split(key, 4)
    chem_ids = jax.random.randint(k1, (BATCH,), 0, NUM_CHEM, dtype=jnp.int64 if jax.config.jax_enable_x64 else jnp.int32).astype(jnp.int32)
    dis_ids = jax.random.randint(k2, (BATCH,), 0, NUM_DIS, dtype=jnp.int32)
    # Buffers: in the torch module these are fitted log1p(degree) counts; emulate
    # a fitted state with non-negative values (log1p of bincounts is >= 0).
    chem_deg = jax.random.uniform(k3, (NUM_CHEM,), dtype=jnp.float32) * 5.0
    dis_deg = jax.random.uniform(k4, (NUM_DIS,), dtype=jnp.float32) * 5.0
    return {"chem_ids": chem_ids, "dis_ids": dis_ids, "chem_deg": chem_deg, "dis_deg": dis_deg}


def reference(chem_ids, dis_ids, chem_deg, dis_deg):
    # score_pairs: gather degree scores for each id and sum
    c = jnp.take(chem_deg, chem_ids, axis=0)
    d = jnp.take(dis_deg, dis_ids, axis=0)
    return c + d

if __name__ == "__main__":
    import jax
    _d = setup_inputs()
    print(jax.jit(kernel)(*tuple(_d.values())))

</pallas_src>

<mosaic_0001>
#map = affine_map<(d0, d1) -> (0)>
module attributes {stable_mosaic.version = 14 : i64} {
  func.func @_degree_score(%arg0: i32, %arg1: i32, %arg2: memref<16384xi32, #tpu.memory_space<hbm>>, %arg3: memref<16384xi32, #tpu.memory_space<hbm>>, %arg4: memref<100000xf32, #tpu.memory_space<hbm>>, %arg5: memref<100000xf32, #tpu.memory_space<hbm>>, %arg6: memref<16384xf32, #tpu.memory_space<hbm>>, %arg7: memref<1024xi32, #tpu.memory_space<vmem>>, %arg8: memref<1024xi32, #tpu.memory_space<vmem>>, %arg9: memref<1024xf32, #tpu.memory_space<vmem>>, %arg10: memref<1024xf32, #tpu.memory_space<vmem>>, %arg11: memref<!tpu.dma_semaphore, #tpu.memory_space<semaphore_mem>>, %arg12: memref<!tpu.dma_semaphore, #tpu.memory_space<semaphore_mem>>, %arg13: memref<!tpu.dma_semaphore, #tpu.memory_space<semaphore_mem>>) attributes {dimension_semantics = [#tpu.dimension_semantics<core_parallel>, #tpu.dimension_semantics<subcore_parallel>], iteration_bounds = array<i64: 1, 16>, scalar_prefetch = 0 : i64, scratch_operands = 7 : i64, tpu.core_type = #tpu.core_type<sc_vector_subcore>, window_params = [{transform_indices = #map}, {transform_indices = #map}, {transform_indices = #map}, {transform_indices = #map}, {transform_indices = #map}]} {
    %mul3A = arith.constant 1 : i32
    %mul3A_0 = arith.muli %arg1, %mul3A : i32
    %add3A = arith.addi %mul3A_0, %arg0 : i32
    %mul3A_1 = arith.constant 1024 : i32
    %mul3A_2 = arith.muli %add3A, %mul3A_1 : i32
    %add3A_3 = arith.constant 0 : i32
    %add3A_4 = arith.addi %mul3A_2, %add3A_3 : i32
    %dma_start3A = tpu.memref_slice %arg2[%add3A_4] : memref<16384xi32, #tpu.memory_space<hbm>> -> memref<1024xi32, #tpu.memory_space<hbm>>
    %dma_start3A_5 = tpu.memref_slice %arg2[%add3A_4] : memref<16384xi32, #tpu.memory_space<hbm>> -> memref<1024xi32, #tpu.memory_space<hbm>>
    tpu.enqueue_dma source(%dma_start3A_5 : memref<1024xi32, #tpu.memory_space<hbm>>) target(%arg7 : memref<1024xi32, #tpu.memory_space<vmem>>) target_semaphore(%arg11 : memref<!tpu.dma_semaphore, #tpu.memory_space<semaphore_mem>>)
    %dma_start3A_6 = tpu.memref_slice %arg3[%add3A_4] : memref<16384xi32, #tpu.memory_space<hbm>> -> memref<1024xi32, #tpu.memory_space<hbm>>
    %dma_start3A_7 = tpu.memref_slice %arg3[%add3A_4] : memref<16384xi32, #tpu.memory_space<hbm>> -> memref<1024xi32, #tpu.memory_space<hbm>>
    tpu.enqueue_dma source(%dma_start3A_7 : memref<1024xi32, #tpu.memory_space<hbm>>) target(%arg8 : memref<1024xi32, #tpu.memory_space<vmem>>) target_semaphore(%arg11 : memref<!tpu.dma_semaphore, #tpu.memory_space<semaphore_mem>>)
    %dma_wait3A = tpu.memref_slice %arg2[%add3A_4] : memref<16384xi32, #tpu.memory_space<hbm>> -> memref<1024xi32, #tpu.memory_space<hbm>>
    %dma_wait3A_8 = tpu.memref_slice %arg2[%add3A_4] : memref<16384xi32, #tpu.memory_space<hbm>> -> memref<1024xi32, #tpu.memory_space<hbm>>
    tpu.wait_dma2 semaphore(%arg11 : memref<!tpu.dma_semaphore, #tpu.memory_space<semaphore_mem>>) src(%dma_wait3A_8 : memref<1024xi32, #tpu.memory_space<hbm>>) dst(%arg7 : memref<1024xi32, #tpu.memory_space<vmem>>)
    %dma_wait3A_9 = tpu.memref_slice %arg3[%add3A_4] : memref<16384xi32, #tpu.memory_space<hbm>> -> memref<1024xi32, #tpu.memory_space<hbm>>
    %dma_wait3A_10 = tpu.memref_slice %arg3[%add3A_4] : memref<16384xi32, #tpu.memory_space<hbm>> -> memref<1024xi32, #tpu.memory_space<hbm>>
    tpu.wait_dma2 semaphore(%arg11 : memref<!tpu.dma_semaphore, #tpu.memory_space<semaphore_mem>>) src(%dma_wait3A_10 : memref<1024xi32, #tpu.memory_space<hbm>>) dst(%arg8 : memref<1024xi32, #tpu.memory_space<vmem>>)
    %dma_start3A_11 = arith.constant 0 : i32
    %dma_start3A_12 = tpu.memref_slice %arg4[%dma_start3A_11] : memref<100000xf32, #tpu.memory_space<hbm>> -> memref<100000xf32, #tpu.memory_space<hbm>>
    tpu.enqueue_indirect_dma source(%dma_start3A_12 : memref<100000xf32, #tpu.memory_space<hbm>>) target(%arg9 : memref<1024xf32, #tpu.memory_space<vmem>>) offsets(%arg7 : memref<1024xi32, #tpu.memory_space<vmem>>) semaphore(%arg12 : memref<!tpu.dma_semaphore, #tpu.memory_space<semaphore_mem>>)
    %dma_start3A_13 = arith.constant 0 : i32
    %dma_start3A_14 = tpu.memref_slice %arg5[%dma_start3A_13] : memref<100000xf32, #tpu.memory_space<hbm>> -> memref<100000xf32, #tpu.memory_space<hbm>>
    tpu.enqueue_indirect_dma source(%dma_start3A_14 : memref<100000xf32, #tpu.memory_space<hbm>>) target(%arg10 : memref<1024xf32, #tpu.memory_space<vmem>>) offsets(%arg8 : memref<1024xi32, #tpu.memory_space<vmem>>) semaphore(%arg12 : memref<!tpu.dma_semaphore, #tpu.memory_space<semaphore_mem>>)
    %dma_wait3A_15 = arith.constant 0 : i32
    %dma_wait3A_16 = tpu.memref_slice %arg4[%dma_wait3A_15] : memref<100000xf32, #tpu.memory_space<hbm>> -> memref<100000xf32, #tpu.memory_space<hbm>>
    tpu.wait_indirect_dma semaphore(%arg12 : memref<!tpu.dma_semaphore, #tpu.memory_space<semaphore_mem>>) src(%dma_wait3A_16 : memref<100000xf32, #tpu.memory_space<hbm>>) dst(%arg9 : memref<1024xf32, #tpu.memory_space<vmem>>)
    %dma_wait3A_17 = arith.constant 0 : i32
    %dma_wait3A_18 = tpu.memref_slice %arg5[%dma_wait3A_17] : memref<100000xf32, #tpu.memory_space<hbm>> -> memref<100000xf32, #tpu.memory_space<hbm>>
    tpu.wait_indirect_dma semaphore(%arg12 : memref<!tpu.dma_semaphore, #tpu.memory_space<semaphore_mem>>) src(%dma_wait3A_18 : memref<100000xf32, #tpu.memory_space<hbm>>) dst(%arg10 : memref<1024xf32, #tpu.memory_space<vmem>>)
    %get3A = arith.constant 0 : index
    %get3A_19 = tpu.vector_load %arg9[%get3A] {strides = array<i32>} : memref<1024xf32, #tpu.memory_space<vmem>>, vector<16xf32>,
    %get3A_20 = vector.shape_cast %get3A_19 : vector<16xf32> to vector<16xf32>
    %get3A_21 = arith.constant 0 : index
    %get3A_22 = tpu.vector_load %arg10[%get3A_21] {strides = array<i32>} : memref<1024xf32, #tpu.memory_space<vmem>>, vector<16xf32>,
    %get3A_23 = vector.shape_cast %get3A_22 : vector<16xf32> to vector<16xf32>
    %add3A_24 = arith.addf %get3A_20, %get3A_23 : vector<16xf32>
    %swap3A = arith.constant 0 : index
    %swap3A_25 = tpu.vector_load %arg9[%swap3A] {strides = array<i32>} : memref<1024xf32, #tpu.memory_space<vmem>>, vector<16xf32>,
    %swap3A_26 = vector.shape_cast %swap3A_25 : vector<16xf32> to vector<16xf32>
    %swap3A_27 = vector.shape_cast %add3A_24 : vector<16xf32> to vector<16xf32>
    tpu.vector_store %arg9[%swap3A], %swap3A_27 {strides = array<i32>} : memref<1024xf32, #tpu.memory_space<vmem>>, vector<16xf32>,
    %get3A_28 = arith.constant 16 : index
    %get3A_29 = tpu.vector_load %arg9[%get3A_28] {strides = array<i32>} : memref<1024xf32, #tpu.memory_space<vmem>>, vector<16xf32>,
    %get3A_30 = vector.shape_cast %get3A_29 : vector<16xf32> to vector<16xf32>
    %get3A_31 = arith.constant 16 : index
    %get3A_32 = tpu.vector_load %arg10[%get3A_31] {strides = array<i32>} : memref<1024xf32, #tpu.memory_space<vmem>>, vector<16xf32>,
    %get3A_33 = vector.shape_cast %get3A_32 : vector<16xf32> to vector<16xf32>
    %add3A_34 = arith.addf %get3A_30, %get3A_33 : vector<16xf32>
    %swap3A_35 = arith.constant 16 : index
    %swap3A_36 = tpu.vector_load %arg9[%swap3A_35] {strides = array<i32>} : memref<1024xf32, #tpu.memory_space<vmem>>, vector<16xf32>,
    %swap3A_37 = vector.shape_cast %swap3A_36 : vector<16xf32> to vector<16xf32>
    %swap3A_38 = vector.shape_cast %add3A_34 : vector<16xf32> to vector<16xf32>
    tpu.vector_store %arg9[%swap3A_35], %swap3A_38 {strides = array<i32>} : memref<1024xf32, #tpu.memory_space<vmem>>, vector<16xf32>,
    %get3A_39 = arith.constant 32 : index
    %get3A_40 = tpu.vector_load %arg9[%get3A_39] {strides = array<i32>} : memref<1024xf32, #tpu.memory_space<vmem>>, vector<16xf32>,
    %get3A_41 = vector.shape_cast %get3A_40 : vector<16xf32> to vector<16xf32>
    %get3A_42 = arith.constant 32 : index
    %get3A_43 = tpu.vector_load %arg10[%get3A_42] {strides = array<i32>} : memref<1024xf32, #tpu.memory_space<vmem>>, vector<16xf32>,
    %get3A_44 = vector.shape_cast %get3A_43 : vector<16xf32> to vector<16xf32>
    %add3A_45 = arith.addf %get3A_41, %get3A_44 : vector<16xf32>
    %swap3A_46 = arith.constant 32 : index
    %swap3A_47 = tpu.vector_load %arg9[%swap3A_46] {strides = array<i32>} : memref<1024xf32, #tpu.memory_space<vmem>>, vector<16xf32>,
    %swap3A_48 = vector.shape_cast %swap3A_47 : vector<16xf32> to vector<16xf32>
    %swap3A_49 = vector.shape_cast %add3A_45 : vector<16xf32> to vector<16xf32>
    tpu.vector_store %arg9[%swap3A_46], %swap3A_49 {strides = array<i32>} : memref<1024xf32, #tpu.memory_space<vmem>>, vector<16xf32>,
    %get3A_50 = arith.constant 48 : index
    %get3A_51 = tpu.vector_load %arg9[%get3A_50] {strides = array<i32>} : memref<1024xf32, #tpu.memory_space<vmem>>, vector<16xf32>,
    %get3A_52 = vector.shape_cast %get3A_51 : vector<16xf32> to vector<16xf32>
    %get3A_53 = arith.constant 48 : index
    %get3A_54 = tpu.vector_load %arg10[%get3A_53] {strides = array<i32>} : memref<1024xf32, #tpu.memory_space<vmem>>, vector<16xf32>,
    %get3A_55 = vector.shape_cast %get3A_54 : vector<16xf32> to vector<16xf32>
    %add3A_56 = arith.addf %get3A_52, %get3A_55 : vector<16xf32>
    %swap3A_57 = arith.constant 48 : index
    %swap3A_58 = tpu.vector_load %arg9[%swap3A_57] {strides = array<i32>} : memref<1024xf32, #tpu.memory_space<vmem>>, vector<16xf32>,
    %swap3A_59 = vector.shape_cast %swap3A_58 : vector<16xf32> to vector<16xf32>
    %swap3A_60 = vector.shape_cast %add3A_56 : vector<16xf32> to vector<16xf32>
    tpu.vector_store %arg9[%swap3A_57], %swap3A_60 {strides = array<i32>} : memref<1024xf32, #tpu.memory_space<vmem>>, vector<16xf32>,
    %get3A_61 = arith.constant 64 : index
    %get3A_62 = tpu.vector_load %arg9[%get3A_61] {strides = array<i32>} : memref<1024xf32, #tpu.memory_space<vmem>>, vector<16xf32>,
    %get3A_63 = vector.shape_cast %get3A_62 : vector<16xf32> to vector<16xf32>
    %get3A_64 = arith.constant 64 : index
    %get3A_65 = tpu.vector_load %arg10[%get3A_64] {strides = array<i32>} : memref<1024xf32, #tpu.memory_space<vmem>>, vector<16xf32>,
    %get3A_66 = vector.shape_cast %get3A_65 : vector<16xf32> to vector<16xf32>
    %add3A_67 = arith.addf %get3A_63, %get3A_66 : vector<16xf32>
    %swap3A_68 = arith.constant 64 : index
    %swap3A_69 = tpu.vector_load %arg9[%swap3A_68] {strides = array<i32>} : memref<1024xf32, #tpu.memory_space<vmem>>, vector<16xf32>,
    %swap3A_70 = vector.shape_cast %swap3A_69 : vector<16xf32> to vector<16xf32>
    %swap3A_71 = vector.shape_cast %add3A_67 : vector<16xf32> to vector<16xf32>
    tpu.vector_store %arg9[%swap3A_68], %swap3A_71 {strides = array<i32>} : memref<1024xf32, #tpu.memory_space<vmem>>, vector<16xf32>,
    %get3A_72 = arith.constant 80 : index
    %get3A_73 = tpu.vector_load %arg9[%get3A_72] {strides = array<i32>} : memref<1024xf32, #tpu.memory_space<vmem>>, vector<16xf32>,
    %get3A_74 = vector.shape_cast %get3A_73 : vector<16xf32> to vector<16xf32>
    %get3A_75 = arith.constant 80 : index
    %get3A_76 = tpu.vector_load %arg10[%get3A_75] {strides = array<i32>} : memref<1024xf32, #tpu.memory_space<vmem>>, vector<16xf32>,
    %get3A_77 = vector.shape_cast %get3A_76 : vector<16xf32> to vector<16xf32>
    %add3A_78 = arith.addf %get3A_74, %get3A_77 : vector<16xf32>
    %swap3A_79 = arith.constant 80 : index
    %swap3A_80 = tpu.vector_load %arg9[%swap3A_79] {strides = array<i32>} : memref<1024xf32, #tpu.memory_space<vmem>>, vector<16xf32>,
    %swap3A_81 = vector.shape_cast %swap3A_80 : vector<16xf32> to vector<16xf32>
    %swap3A_82 = vector.shape_cast %add3A_78 : vector<16xf32> to vector<16xf32>
    tpu.vector_store %arg9[%swap3A_79], %swap3A_82 {strides = array<i32>} : memref<1024xf32, #tpu.memory_space<vmem>>, vector<16xf32>,
    %get3A_83 = arith.constant 96 : index
    %get3A_84 = tpu.vector_load %arg9[%get3A_83] {strides = array<i32>} : memref<1024xf32, #tpu.memory_space<vmem>>, vector<16xf32>,
    %get3A_85 = vector.shape_cast %get3A_84 : vector<16xf32> to vector<16xf32>
    %get3A_86 = arith.constant 96 : index
    %get3A_87 = tpu.vector_load %arg10[%get3A_86] {strides = array<i32>} : memref<1024xf32, #tpu.memory_space<vmem>>, vector<16xf32>,
    %get3A_88 = vector.shape_cast %get3A_87 : vector<16xf32> to vector<16xf32>
    %add3A_89 = arith.addf %get3A_85, %get3A_88 : vector<16xf32>
    %swap3A_90 = arith.constant 96 : index
    %swap3A_91 = tpu.vector_load %arg9[%swap3A_90] {strides = array<i32>} : memref<1024xf32, #tpu.memory_space<vmem>>, vector<16xf32>,
    %swap3A_92 = vector.shape_cast %swap3A_91 : vector<16xf32> to vector<16xf32>
    %swap3A_93 = vector.shape_cast %add3A_89 : vector<16xf32> to vector<16xf32>
    tpu.vector_store %arg9[%swap3A_90], %swap3A_93 {strides = array<i32>} : memref<1024xf32, #tpu.memory_space<vmem>>, vector<16xf32>,
    %get3A_94 = arith.constant 112 : index
    %get3A_95 = tpu.vector_load %arg9[%get3A_94] {strides = array<i32>} : memref<1024xf32, #tpu.memory_space<vmem>>, vector<16xf32>,
    %get3A_96 = vector.shape_cast %get3A_95 : vector<16xf32> to vector<16xf32>
    %get3A_97 = arith.constant 112 : index
    %get3A_98 = tpu.vector_load %arg10[%get3A_97] {strides = array<i32>} : memref<1024xf32, #tpu.memory_space<vmem>>, vector<16xf32>,
    %get3A_99 = vector.shape_cast %get3A_98 : vector<16xf32> to vector<16xf32>
    %add3A_100 = arith.addf %get3A_96, %get3A_99 : vector<16xf32>
    %swap3A_101 = arith.constant 112 : index
    %swap3A_102 = tpu.vector_load %arg9[%swap3A_101] {strides = array<i32>} : memref<1024xf32, #tpu.memory_space<vmem>>, vector<16xf32>,
    %swap3A_103 = vector.shape_cast %swap3A_102 : vector<16xf32> to vector<16xf32>
    %swap3A_104 = vector.shape_cast %add3A_100 : vector<16xf32> to vector<16xf32>
    tpu.vector_store %arg9[%swap3A_101], %swap3A_104 {strides = array<i32>} : memref<1024xf32, #tpu.memory_space<vmem>>, vector<16xf32>,
    %get3A_105 = arith.constant 128 : index
    %get3A_106 = tpu.vector_load %arg9[%get3A_105] {strides = array<i32>} : memref<1024xf32, #tpu.memory_space<vmem>>, vector<16xf32>,
    %get3A_107 = vector.shape_cast %get3A_106 : vector<16xf32> to vector<16xf32>
    %get3A_108 = arith.constant 128 : index
    %get3A_109 = tpu.vector_load %arg10[%get3A_108] {strides = array<i32>} : memref<1024xf32, #tpu.memory_space<vmem>>, vector<16xf32>,
    %get3A_110 = vector.shape_cast %get3A_109 : vector<16xf32> to vector<16xf32>
    %add3A_111 = arith.addf %get3A_107, %get3A_110 : vector<16xf32>
    %swap3A_112 = arith.constant 128 : index
    %swap3A_113 = tpu.vector_load %arg9[%swap3A_112] {strides = array<i32>} : memref<1024xf32, #tpu.memory_space<vmem>>, vector<16xf32>,
    %swap3A_114 = vector.shape_cast %swap3A_113 : vector<16xf32> to vector<16xf32>
    %swap3A_115 = vector.shape_cast %add3A_111 : vector<16xf32> to vector<16xf32>
    tpu.vector_store %arg9[%swap3A_112], %swap3A_115 {strides = array<i32>} : memref<1024xf32, #tpu.memory_space<vmem>>, vector<16xf32>,
    %get3A_116 = arith.constant 144 : index
    %get3A_117 = tpu.vector_load %arg9[%get3A_116] {strides = array<i32>} : memref<1024xf32, #tpu.memory_space<vmem>>, vector<16xf32>,
    %get3A_118 = vector.shape_cast %get3A_117 : vector<16xf32> to vector<16xf32>
    %get3A_119 = arith.constant 144 : index
    %get3A_120 = tpu.vector_load %arg10[%get3A_119] {strides = array<i32>} : memref<1024xf32, #tpu.memory_space<vmem>>, vector<16xf32>,
    %get3A_121 = vector.shape_cast %get3A_120 : vector<16xf32> to vector<16xf32>
    %add3A_122 = arith.addf %get3A_118, %get3A_121 : vector<16xf32>
    %swap3A_123 = arith.constant 144 : index
    %swap3A_124 = tpu.vector_load %arg9[%swap3A_123] {strides = array<i32>} : memref<1024xf32, #tpu.memory_space<vmem>>, vector<16xf32>,
    %swap3A_125 = vector.shape_cast %swap3A_124 : vector<16xf32> to vector<16xf32>
    %swap3A_126 = vector.shape_cast %add3A_122 : vector<16xf32> to vector<16xf32>
    tpu.vector_store %arg9[%swap3A_123], %swap3A_126 {strides = array<i32>} : memref<1024xf32, #tpu.memory_space<vmem>>, vector<16xf32>,
    %get3A_127 = arith.constant 160 : index
    %get3A_128 = tpu.vector_load %arg9[%get3A_127] {strides = array<i32>} : memref<1024xf32, #tpu.memory_space<vmem>>, vector<16xf32>,
    %get3A_129 = vector.shape_cast %get3A_128 : vector<16xf32> to vector<16xf32>
    %get3A_130 = arith.constant 160 : index
    %get3A_131 = tpu.vector_load %arg10[%get3A_130] {strides = array<i32>} : memref<1024xf32, #tpu.memory_space<vmem>>, vector<16xf32>,
    %get3A_132 = vector.shape_cast %get3A_131 : vector<16xf32> to vector<16xf32>
    %add3A_133 = arith.addf %get3A_129, %get3A_132 : vector<16xf32>
    %swap3A_134 = arith.constant 160 : index
    %swap3A_135 = tpu.vector_load %arg9[%swap3A_134] {strides = array<i32>} : memref<1024xf32, #tpu.memory_space<vmem>>, vector<16xf32>,
    %swap3A_136 = vector.shape_cast %swap3A_135 : vector<16xf32> to vector<16xf32>
    %swap3A_137 = vector.shape_cast %add3A_133 : vector<16xf32> to vector<16xf32>
    tpu.vector_store %arg9[%swap3A_134], %swap3A_137 {strides = array<i32>} : memref<1024xf32, #tpu.memory_space<vmem>>, vector<16xf32>,
    %get3A_138 = arith.constant 176 : index
    %get3A_139 = tpu.vector_load %arg9[%get3A_138] {strides = array<i32>} : memref<1024xf32, #tpu.memory_space<vmem>>, vector<16xf32>,
    %get3A_140 = vector.shape_cast %get3A_139 : vector<16xf32> to vector<16xf32>
    %get3A_141 = arith.constant 176 : index
    %get3A_142 = tpu.vector_load %arg10[%get3A_141] {strides = array<i32>} : memref<1024xf32, #tpu.memory_space<vmem>>, vector<16xf32>,
    %get3A_143 = vector.shape_cast %get3A_142 : vector<16xf32> to vector<16xf32>
    %add3A_144 = arith.addf %get3A_140, %get3A_143 : vector<16xf32>
    %swap3A_145 = arith.constant 176 : index
    %swap3A_146 = tpu.vector_load %arg9[%swap3A_145] {strides = array<i32>} : memref<1024xf32, #tpu.memory_space<vmem>>, vector<16xf32>,
    %swap3A_147 = vector.shape_cast %swap3A_146 : vector<16xf32> to vector<16xf32>
    %swap3A_148 = vector.shape_cast %add3A_144 : vector<16xf32> to vector<16xf32>
    tpu.vector_store %arg9[%swap3A_145], %swap3A_148 {strides = array<i32>} : memref<1024xf32, #tpu.memory_space<vmem>>, vector<16xf32>,
    %get3A_149 = arith.constant 192 : index
    %get3A_150 = tpu.vector_load %arg9[%get3A_149] {strides = array<i32>} : memref<1024xf32, #tpu.memory_space<vmem>>, vector<16xf32>,
    %get3A_151 = vector.shape_cast %get3A_150 : vector<16xf32> to vector<16xf32>
    %get3A_152 = arith.constant 192 : index
    %get3A_153 = tpu.vector_load %arg10[%get3A_152] {strides = array<i32>} : memref<1024xf32, #tpu.memory_space<vmem>>, vector<16xf32>,
    %get3A_154 = vector.shape_cast %get3A_153 : vector<16xf32> to vector<16xf32>
    %add3A_155 = arith.addf %get3A_151, %get3A_154 : vector<16xf32>
    %swap3A_156 = arith.constant 192 : index
    %swap3A_157 = tpu.vector_load %arg9[%swap3A_156] {strides = array<i32>} : memref<1024xf32, #tpu.memory_space<vmem>>, vector<16xf32>,
    %swap3A_158 = vector.shape_cast %swap3A_157 : vector<16xf32> to vector<16xf32>
    %swap3A_159 = vector.shape_cast %add3A_155 : vector<16xf32> to vector<16xf32>
    tpu.vector_store %arg9[%swap3A_156], %swap3A_159 {strides = array<i32>} : memref<1024xf32, #tpu.memory_space<vmem>>, vector<16xf32>,
    %get3A_160 = arith.constant 208 : index
    %get3A_161 = tpu.vector_load %arg9[%get3A_160] {strides = array<i32>} : memref<1024xf32, #tpu.memory_space<vmem>>, vector<16xf32>,
    %get3A_162 = vector.shape_cast %get3A_161 : vector<16xf32> to vector<16xf32>
    %get3A_163 = arith.constant 208 : index
    %get3A_164 = tpu.vector_load %arg10[%get3A_163] {strides = array<i32>} : memref<1024xf32, #tpu.memory_space<vmem>>, vector<16xf32>,
    %get3A_165 = vector.shape_cast %get3A_164 : vector<16xf32> to vector<16xf32>
    %add3A_166 = arith.addf %get3A_162, %get3A_165 : vector<16xf32>
    %swap3A_167 = arith.constant 208 : index
    %swap3A_168 = tpu.vector_load %arg9[%swap3A_167] {strides = array<i32>} : memref<1024xf32, #tpu.memory_space<vmem>>, vector<16xf32>,
    %swap3A_169 = vector.shape_cast %swap3A_168 : vector<16xf32> to vector<16xf32>
    %swap3A_170 = vector.shape_cast %add3A_166 : vector<16xf32> to vector<16xf32>
    tpu.vector_store %arg9[%swap3A_167], %swap3A_170 {strides = array<i32>} : memref<1024xf32, #tpu.memory_space<vmem>>, vector<16xf32>,
    %get3A_171 = arith.constant 224 : index
    %get3A_172 = tpu.vector_load %arg9[%get3A_171] {strides = array<i32>} : memref<1024xf32, #tpu.memory_space<vmem>>, vector<16xf32>,
    %get3A_173 = vector.shape_cast %get3A_172 : vector<16xf32> to vector<16xf32>
    %get3A_174 = arith.constant 224 : index
    %get3A_175 = tpu.vector_load %arg10[%get3A_174] {strides = array<i32>} : memref<1024xf32, #tpu.memory_space<vmem>>, vector<16xf32>,
    %get3A_176 = vector.shape_cast %get3A_175 : vector<16xf32> to vector<16xf32>
    %add3A_177 = arith.addf %get3A_173, %get3A_176 : vector<16xf32>
    %swap3A_178 = arith.constant 224 : index
    %swap3A_179 = tpu.vector_load %arg9[%swap3A_178] {strides = array<i32>} : memref<1024xf32, #tpu.memory_space<vmem>>, vector<16xf32>,
    %swap3A_180 = vector.shape_cast %swap3A_179 : vector<16xf32> to vector<16xf32>
    %swap3A_181 = vector.shape_cast %add3A_177 : vector<16xf32> to vector<16xf32>
    tpu.vector_store %arg9[%swap3A_178], %swap3A_181 {strides = array<i32>} : memref<1024xf32, #tpu.memory_space<vmem>>, vector<16xf32>,
    %get3A_182 = arith.constant 240 : index
    %get3A_183 = tpu.vector_load %arg9[%get3A_182] {strides = array<i32>} : memref<1024xf32, #tpu.memory_space<vmem>>, vector<16xf32>,
    %get3A_184 = vector.shape_cast %get3A_183 : vector<16xf32> to vector<16xf32>
    %get3A_185 = arith.constant 240 : index
    %get3A_186 = tpu.vector_load %arg10[%get3A_185] {strides = array<i32>} : memref<1024xf32, #tpu.memory_space<vmem>>, vector<16xf32>,
    %get3A_187 = vector.shape_cast %get3A_186 : vector<16xf32> to vector<16xf32>
    %add3A_188 = arith.addf %get3A_184, %get3A_187 : vector<16xf32>
    %swap3A_189 = arith.constant 240 : index
    %swap3A_190 = tpu.vector_load %arg9[%swap3A_189] {strides = array<i32>} : memref<1024xf32, #tpu.memory_space<vmem>>, vector<16xf32>,
    %swap3A_191 = vector.shape_cast %swap3A_190 : vector<16xf32> to vector<16xf32>
    %swap3A_192 = vector.shape_cast %add3A_188 : vector<16xf32> to vector<16xf32>
    tpu.vector_store %arg9[%swap3A_189], %swap3A_192 {strides = array<i32>} : memref<1024xf32, #tpu.memory_space<vmem>>, vector<16xf32>,
    %get3A_193 = arith.constant 256 : index
    %get3A_194 = tpu.vector_load %arg9[%get3A_193] {strides = array<i32>} : memref<1024xf32, #tpu.memory_space<vmem>>, vector<16xf32>,
    %get3A_195 = vector.shape_cast %get3A_194 : vector<16xf32> to vector<16xf32>
    %get3A_196 = arith.constant 256 : index
    %get3A_197 = tpu.vector_load %arg10[%get3A_196] {strides = array<i32>} : memref<1024xf32, #tpu.memory_space<vmem>>, vector<16xf32>,
    %get3A_198 = vector.shape_cast %get3A_197 : vector<16xf32> to vector<16xf32>
    %add3A_199 = arith.addf %get3A_195, %get3A_198 : vector<16xf32>
    %swap3A_200 = arith.constant 256 : index
    %swap3A_201 = tpu.vector_load %arg9[%swap3A_200] {strides = array<i32>} : memref<1024xf32, #tpu.memory_space<vmem>>, vector<16xf32>,
    %swap3A_202 = vector.shape_cast %swap3A_201 : vector<16xf32> to vector<16xf32>
    %swap3A_203 = vector.shape_cast %add3A_199 : vector<16xf32> to vector<16xf32>
    tpu.vector_store %arg9[%swap3A_200], %swap3A_203 {strides = array<i32>} : memref<1024xf32, #tpu.memory_space<vmem>>, vector<16xf32>,
    %get3A_204 = arith.constant 272 : index
    %get3A_205 = tpu.vector_load %arg9[%get3A_204] {strides = array<i32>} : memref<1024xf32, #tpu.memory_space<vmem>>, vector<16xf32>,
    %get3A_206 = vector.shape_cast %get3A_205 : vector<16xf32> to vector<16xf32>
    %get3A_207 = arith.constant 272 : index
    %get3A_208 = tpu.vector_load %arg10[%get3A_207] {strides = array<i32>} : memref<1024xf32, #tpu.memory_space<vmem>>, vector<16xf32>,
    %get3A_209 = vector.shape_cast %get3A_208 : vector<16xf32> to vector<16xf32>
    %add3A_210 = arith.addf %get3A_206, %get3A_209 : vector<16xf32>
    %swap3A_211 = arith.constant 272 : index
    %swap3A_212 = tpu.vector_load %arg9[%swap3A_211] {strides = array<i32>} : memref<1024xf32, #tpu.memory_space<vmem>>, vector<16xf32>,
    %swap3A_213 = vector.shape_cast %swap3A_212 : vector<16xf32> to vector<16xf32>
    %swap3A_214 = vector.shape_cast %add3A_210 : vector<16xf32> to vector<16xf32>
    tpu.vector_store %arg9[%swap3A_211], %swap3A_214 {strides = array<i32>} : memref<1024xf32, #tpu.memory_space<vmem>>, vector<16xf32>,
    %get3A_215 = arith.constant 288 : index
    %get3A_216 = tpu.vector_load %arg9[%get3A_215] {strides = array<i32>} : memref<1024xf32, #tpu.memory_space<vmem>>, vector<16xf32>,
    %get3A_217 = vector.shape_cast %get3A_216 : vector<16xf32> to vector<16xf32>
    %get3A_218 = arith.constant 288 : index
    %get3A_219 = tpu.vector_load %arg10[%get3A_218] {strides = array<i32>} : memref<1024xf32, #tpu.memory_space<vmem>>, vector<16xf32>,
    %get3A_220 = vector.shape_cast %get3A_219 : vector<16xf32> to vector<16xf32>
    %add3A_221 = arith.addf %get3A_217, %get3A_220 : vector<16xf32>
    %swap3A_222 = arith.constant 288 : index
    %swap3A_223 = tpu.vector_load %arg9[%swap3A_222] {strides = array<i32>} : memref<1024xf32, #tpu.memory_space<vmem>>, vector<16xf32>,
    %swap3A_224 = vector.shape_cast %swap3A_223 : vector<16xf32> to vector<16xf32>
    %swap3A_225 = vector.shape_cast %add3A_221 : vector<16xf32> to vector<16xf32>
    tpu.vector_store %arg9[%swap3A_222], %swap3A_225 {strides = array<i32>} : memref<1024xf32, #tpu.memory_space<vmem>>, vector<16xf32>,
    %get3A_226 = arith.constant 304 : index
    %get3A_227 = tpu.vector_load %arg9[%get3A_226] {strides = array<i32>} : memref<1024xf32, #tpu.memory_space<vmem>>, vector<16xf32>,
    %get3A_228 = vector.shape_cast %get3A_227 : vector<16xf32> to vector<16xf32>
    %get3A_229 = arith.constant 304 : index
    %get3A_230 = tpu.vector_load %arg10[%get3A_229] {strides = array<i32>} : memref<1024xf32, #tpu.memory_space<vmem>>, vector<16xf32>,
    %get3A_231 = vector.shape_cast %get3A_230 : vector<16xf32> to vector<16xf32>
    %add3A_232 = arith.addf %get3A_228, %get3A_231 : vector<16xf32>
    %swap3A_233 = arith.constant 304 : index
    %swap3A_234 = tpu.vector_load %arg9[%swap3A_233] {strides = array<i32>} : memref<1024xf32, #tpu.memory_space<vmem>>, vector<16xf32>,
    %swap3A_235 = vector.shape_cast %swap3A_234 : vector<16xf32> to vector<16xf32>
    %swap3A_236 = vector.shape_cast %add3A_232 : vector<16xf32> to vector<16xf32>
    tpu.vector_store %arg9[%swap3A_233], %swap3A_236 {strides = array<i32>} : memref<1024xf32, #tpu.memory_space<vmem>>, vector<16xf32>,
    %get3A_237 = arith.constant 320 : index
    %get3A_238 = tpu.vector_load %arg9[%get3A_237] {strides = array<i32>} : memref<1024xf32, #tpu.memory_space<vmem>>, vector<16xf32>,
    %get3A_239 = vector.shape_cast %get3A_238 : vector<16xf32> to vector<16xf32>
    %get3A_240 = arith.constant 320 : index
    %get3A_241 = tpu.vector_load %arg10[%get3A_240] {strides = array<i32>} : memref<1024xf32, #tpu.memory_space<vmem>>, vector<16xf32>,
    %get3A_242 = vector.shape_cast %get3A_241 : vector<16xf32> to vector<16xf32>
    %add3A_243 = arith.addf %get3A_239, %get3A_242 : vector<16xf32>
    %swap3A_244 = arith.constant 320 : index
    %swap3A_245 = tpu.vector_load %arg9[%swap3A_244] {strides = array<i32>} : memref<1024xf32, #tpu.memory_space<vmem>>, vector<16xf32>,
    %swap3A_246 = vector.shape_cast %swap3A_245 : vector<16xf32> to vector<16xf32>
    %swap3A_247 = vector.shape_cast %add3A_243 : vector<16xf32> to vector<16xf32>
    tpu.vector_store %arg9[%swap3A_244], %swap3A_247 {strides = array<i32>} : memref<1024xf32, #tpu.memory_space<vmem>>, vector<16xf32>,
    %get3A_248 = arith.constant 336 : index
    %get3A_249 = tpu.vector_load %arg9[%get3A_248] {strides = array<i32>} : memref<1024xf32, #tpu.memory_space<vmem>>, vector<16xf32>,
    %get3A_250 = vector.shape_cast %get3A_249 : vector<16xf32> to vector<16xf32>
    %get3A_251 = arith.constant 336 : index
    %get3A_252 = tpu.vector_load %arg10[%get3A_251] {strides = array<i32>} : memref<1024xf32, #tpu.memory_space<vmem>>, vector<16xf32>,
    %get3A_253 = vector.shape_cast %get3A_252 : vector<16xf32> to vector<16xf32>
    %add3A_254 = arith.addf %get3A_250, %get3A_253 : vector<16xf32>
    %swap3A_255 = arith.constant 336 : index
    %swap3A_256 = tpu.vector_load %arg9[%swap3A_255] {strides = array<i32>} : memref<1024xf32, #tpu.memory_space<vmem>>, vector<16xf32>,
    %swap3A_257 = vector.shape_cast %swap3A_256 : vector<16xf32> to vector<16xf32>
    %swap3A_258 = vector.shape_cast %add3A_254 : vector<16xf32> to vector<16xf32>
    tpu.vector_store %arg9[%swap3A_255], %swap3A_258 {strides = array<i32>} : memref<1024xf32, #tpu.memory_space<vmem>>, vector<16xf32>,
    %get3A_259 = arith.constant 352 : index
    %get3A_260 = tpu.vector_load %arg9[%get3A_259] {strides = array<i32>} : memref<1024xf32, #tpu.memory_space<vmem>>, vector<16xf32>,
    %get3A_261 = vector.shape_cast %get3A_260 : vector<16xf32> to vector<16xf32>
    %get3A_262 = arith.constant 352 : index
    %get3A_263 = tpu.vector_load %arg10[%get3A_262] {strides = array<i32>} : memref<1024xf32, #tpu.memory_space<vmem>>, vector<16xf32>,
    %get3A_264 = vector.shape_cast %get3A_263 : vector<16xf32> to vector<16xf32>
    %add3A_265 = arith.addf %get3A_261, %get3A_264 : vector<16xf32>
    %swap3A_266 = arith.constant 352 : index
    %swap3A_267 = tpu.vector_load %arg9[%swap3A_266] {strides = array<i32>} : memref<1024xf32, #tpu.memory_space<vmem>>, vector<16xf32>,
    %swap3A_268 = vector.shape_cast %swap3A_267 : vector<16xf32> to vector<16xf32>
    %swap3A_269 = vector.shape_cast %add3A_265 : vector<16xf32> to vector<16xf32>
    tpu.vector_store %arg9[%swap3A_266], %swap3A_269 {strides = array<i32>} : memref<1024xf32, #tpu.memory_space<vmem>>, vector<16xf32>,
    %get3A_270 = arith.constant 368 : index
    %get3A_271 = tpu.vector_load %arg9[%get3A_270] {strides = array<i32>} : memref<1024xf32, #tpu.memory_space<vmem>>, vector<16xf32>,
    %get3A_272 = vector.shape_cast %get3A_271 : vector<16xf32> to vector<16xf32>
    %get3A_273 = arith.constant 368 : index
    %get3A_274 = tpu.vector_load %arg10[%get3A_273] {strides = array<i32>} : memref<1024xf32, #tpu.memory_space<vmem>>, vector<16xf32>,
    %get3A_275 = vector.shape_cast %get3A_274 : vector<16xf32> to vector<16xf32>
    %add3A_276 = arith.addf %get3A_272, %get3A_275 : vector<16xf32>
    %swap3A_277 = arith.constant 368 : index
    %swap3A_278 = tpu.vector_load %arg9[%swap3A_277] {strides = array<i32>} : memref<1024xf32, #tpu.memory_space<vmem>>, vector<16xf32>,
    %swap3A_279 = vector.shape_cast %swap3A_278 : vector<16xf32> to vector<16xf32>
    %swap3A_280 = vector.shape_cast %add3A_276 : vector<16xf32> to vector<16xf32>
    tpu.vector_store %arg9[%swap3A_277], %swap3A_280 {strides = array<i32>} : memref<1024xf32, #tpu.memory_space<vmem>>, vector<16xf32>,
    %get3A_281 = arith.constant 384 : index
    %get3A_282 = tpu.vector_load %arg9[%get3A_281] {strides = array<i32>} : memref<1024xf32, #tpu.memory_space<vmem>>, vector<16xf32>,
    %get3A_283 = vector.shape_cast %get3A_282 : vector<16xf32> to vector<16xf32>
    %get3A_284 = arith.constant 384 : index
    %get3A_285 = tpu.vector_load %arg10[%get3A_284] {strides = array<i32>} : memref<1024xf32, #tpu.memory_space<vmem>>, vector<16xf32>,
    %get3A_286 = vector.shape_cast %get3A_285 : vector<16xf32> to vector<16xf32>
    %add3A_287 = arith.addf %get3A_283, %get3A_286 : vector<16xf32>
    %swap3A_288 = arith.constant 384 : index
    %swap3A_289 = tpu.vector_load %arg9[%swap3A_288] {strides = array<i32>} : memref<1024xf32, #tpu.memory_space<vmem>>, vector<16xf32>,
    %swap3A_290 = vector.shape_cast %swap3A_289 : vector<16xf32> to vector<16xf32>
    %swap3A_291 = vector.shape_cast %add3A_287 : vector<16xf32> to vector<16xf32>
    tpu.vector_store %arg9[%swap3A_288], %swap3A_291 {strides = array<i32>} : memref<1024xf32, #tpu.memory_space<vmem>>, vector<16xf32>,
    %get3A_292 = arith.constant 400 : index
    %get3A_293 = tpu.vector_load %arg9[%get3A_292] {strides = array<i32>} : memref<1024xf32, #tpu.memory_space<vmem>>, vector<16xf32>,
    %get3A_294 = vector.shape_cast %get3A_293 : vector<16xf32> to vector<16xf32>
    %get3A_295 = arith.constant 400 : index
    %get3A_296 = tpu.vector_load %arg10[%get3A_295] {strides = array<i32>} : memref<1024xf32, #tpu.memory_space<vmem>>, vector<16xf32>,
    %get3A_297 = vector.shape_cast %get3A_296 : vector<16xf32> to vector<16xf32>
    %add3A_298 = arith.addf %get3A_294, %get3A_297 : vector<16xf32>
    %swap3A_299 = arith.constant 400 : index
    %swap3A_300 = tpu.vector_load %arg9[%swap3A_299] {strides = array<i32>} : memref<1024xf32, #tpu.memory_space<vmem>>, vector<16xf32>,
    %swap3A_301 = vector.shape_cast %swap3A_300 : vector<16xf32> to vector<16xf32>
    %swap3A_302 = vector.shape_cast %add3A_298 : vector<16xf32> to vector<16xf32>
    tpu.vector_store %arg9[%swap3A_299], %swap3A_302 {strides = array<i32>} : memref<1024xf32, #tpu.memory_space<vmem>>, vector<16xf32>,
    %get3A_303 = arith.constant 416 : index
    %get3A_304 = tpu.vector_load %arg9[%get3A_303] {strides = array<i32>} : memref<1024xf32, #tpu.memory_space<vmem>>, vector<16xf32>,
    %get3A_305 = vector.shape_cast %get3A_304 : vector<16xf32> to vector<16xf32>
    %get3A_306 = arith.constant 416 : index
    %get3A_307 = tpu.vector_load %arg10[%get3A_306] {strides = array<i32>} : memref<1024xf32, #tpu.memory_space<vmem>>, vector<16xf32>,
    %get3A_308 = vector.shape_cast %get3A_307 : vector<16xf32> to vector<16xf32>
    %add3A_309 = arith.addf %get3A_305, %get3A_308 : vector<16xf32>
    %swap3A_310 = arith.constant 416 : index
    %swap3A_311 = tpu.vector_load %arg9[%swap3A_310] {strides = array<i32>} : memref<1024xf32, #tpu.memory_space<vmem>>, vector<16xf32>,
    %swap3A_312 = vector.shape_cast %swap3A_311 : vector<16xf32> to vector<16xf32>
    %swap3A_313 = vector.shape_cast %add3A_309 : vector<16xf32> to vector<16xf32>
    tpu.vector_store %arg9[%swap3A_310], %swap3A_313 {strides = array<i32>} : memref<1024xf32, #tpu.memory_space<vmem>>, vector<16xf32>,
    %get3A_314 = arith.constant 432 : index
    %get3A_315 = tpu.vector_load %arg9[%get3A_314] {strides = array<i32>} : memref<1024xf32, #tpu.memory_space<vmem>>, vector<16xf32>,
    %get3A_316 = vector.shape_cast %get3A_315 : vector<16xf32> to vector<16xf32>
    %get3A_317 = arith.constant 432 : index
    %get3A_318 = tpu.vector_load %arg10[%get3A_317] {strides = array<i32>} : memref<1024xf32, #tpu.memory_space<vmem>>, vector<16xf32>,
    %get3A_319 = vector.shape_cast %get3A_318 : vector<16xf32> to vector<16xf32>
    %add3A_320 = arith.addf %get3A_316, %get3A_319 : vector<16xf32>
    %swap3A_321 = arith.constant 432 : index
    %swap3A_322 = tpu.vector_load %arg9[%swap3A_321] {strides = array<i32>} : memref<1024xf32, #tpu.memory_space<vmem>>, vector<16xf32>,
    %swap3A_323 = vector.shape_cast %swap3A_322 : vector<16xf32> to vector<16xf32>
    %swap3A_324 = vector.shape_cast %add3A_320 : vector<16xf32> to vector<16xf32>
    tpu.vector_store %arg9[%swap3A_321], %swap3A_324 {strides = array<i32>} : memref<1024xf32, #tpu.memory_space<vmem>>, vector<16xf32>,
    %get3A_325 = arith.constant 448 : index
    %get3A_326 = tpu.vector_load %arg9[%get3A_325] {strides = array<i32>} : memref<1024xf32, #tpu.memory_space<vmem>>, vector<16xf32>,
    %get3A_327 = vector.shape_cast %get3A_326 : vector<16xf32> to vector<16xf32>
    %get3A_328 = arith.constant 448 : index
    %get3A_329 = tpu.vector_load %arg10[%get3A_328] {strides = array<i32>} : memref<1024xf32, #tpu.memory_space<vmem>>, vector<16xf32>,
    %get3A_330 = vector.shape_cast %get3A_329 : vector<16xf32> to vector<16xf32>
    %add3A_331 = arith.addf %get3A_327, %get3A_330 : vector<16xf32>
    %swap3A_332 = arith.constant 448 : index
    %swap3A_333 = tpu.vector_load %arg9[%swap3A_332] {strides = array<i32>} : memref<1024xf32, #tpu.memory_space<vmem>>, vector<16xf32>,
    %swap3A_334 = vector.shape_cast %swap3A_333 : vector<16xf32> to vector<16xf32>
    %swap3A_335 = vector.shape_cast %add3A_331 : vector<16xf32> to vector<16xf32>
    tpu.vector_store %arg9[%swap3A_332], %swap3A_335 {strides = array<i32>} : memref<1024xf32, #tpu.memory_space<vmem>>, vector<16xf32>,
    %get3A_336 = arith.constant 464 : index
    %get3A_337 = tpu.vector_load %arg9[%get3A_336] {strides = array<i32>} : memref<1024xf32, #tpu.memory_space<vmem>>, vector<16xf32>,
    %get3A_338 = vector.shape_cast %get3A_337 : vector<16xf32> to vector<16xf32>
    %get3A_339 = arith.constant 464 : index
    %get3A_340 = tpu.vector_load %arg10[%get3A_339] {strides = array<i32>} : memref<1024xf32, #tpu.memory_space<vmem>>, vector<16xf32>,
    %get3A_341 = vector.shape_cast %get3A_340 : vector<16xf32> to vector<16xf32>
    %add3A_342 = arith.addf %get3A_338, %get3A_341 : vector<16xf32>
    %swap3A_343 = arith.constant 464 : index
    %swap3A_344 = tpu.vector_load %arg9[%swap3A_343] {strides = array<i32>} : memref<1024xf32, #tpu.memory_space<vmem>>, vector<16xf32>,
    %swap3A_345 = vector.shape_cast %swap3A_344 : vector<16xf32> to vector<16xf32>
    %swap3A_346 = vector.shape_cast %add3A_342 : vector<16xf32> to vector<16xf32>
    tpu.vector_store %arg9[%swap3A_343], %swap3A_346 {strides = array<i32>} : memref<1024xf32, #tpu.memory_space<vmem>>, vector<16xf32>,
    %get3A_347 = arith.constant 480 : index
    %get3A_348 = tpu.vector_load %arg9[%get3A_347] {strides = array<i32>} : memref<1024xf32, #tpu.memory_space<vmem>>, vector<16xf32>,
    %get3A_349 = vector.shape_cast %get3A_348 : vector<16xf32> to vector<16xf32>
    %get3A_350 = arith.constant 480 : index
    %get3A_351 = tpu.vector_load %arg10[%get3A_350] {strides = array<i32>} : memref<1024xf32, #tpu.memory_space<vmem>>, vector<16xf32>,
    %get3A_352 = vector.shape_cast %get3A_351 : vector<16xf32> to vector<16xf32>
    %add3A_353 = arith.addf %get3A_349, %get3A_352 : vector<16xf32>
    %swap3A_354 = arith.constant 480 : index
    %swap3A_355 = tpu.vector_load %arg9[%swap3A_354] {strides = array<i32>} : memref<1024xf32, #tpu.memory_space<vmem>>, vector<16xf32>,
    %swap3A_356 = vector.shape_cast %swap3A_355 : vector<16xf32> to vector<16xf32>
    %swap3A_357 = vector.shape_cast %add3A_353 : vector<16xf32> to vector<16xf32>
    tpu.vector_store %arg9[%swap3A_354], %swap3A_357 {strides = array<i32>} : memref<1024xf32, #tpu.memory_space<vmem>>, vector<16xf32>,
    %get3A_358 = arith.constant 496 : index
    %get3A_359 = tpu.vector_load %arg9[%get3A_358] {strides = array<i32>} : memref<1024xf32, #tpu.memory_space<vmem>>, vector<16xf32>,
    %get3A_360 = vector.shape_cast %get3A_359 : vector<16xf32> to vector<16xf32>
    %get3A_361 = arith.constant 496 : index
    %get3A_362 = tpu.vector_load %arg10[%get3A_361] {strides = array<i32>} : memref<1024xf32, #tpu.memory_space<vmem>>, vector<16xf32>,
    %get3A_363 = vector.shape_cast %get3A_362 : vector<16xf32> to vector<16xf32>
    %add3A_364 = arith.addf %get3A_360, %get3A_363 : vector<16xf32>
    %swap3A_365 = arith.constant 496 : index
    %swap3A_366 = tpu.vector_load %arg9[%swap3A_365] {strides = array<i32>} : memref<1024xf32, #tpu.memory_space<vmem>>, vector<16xf32>,
    %swap3A_367 = vector.shape_cast %swap3A_366 : vector<16xf32> to vector<16xf32>
    %swap3A_368 = vector.shape_cast %add3A_364 : vector<16xf32> to vector<16xf32>
    tpu.vector_store %arg9[%swap3A_365], %swap3A_368 {strides = array<i32>} : memref<1024xf32, #tpu.memory_space<vmem>>, vector<16xf32>,
    %get3A_369 = arith.constant 512 : index
    %get3A_370 = tpu.vector_load %arg9[%get3A_369] {strides = array<i32>} : memref<1024xf32, #tpu.memory_space<vmem>>, vector<16xf32>,
    %get3A_371 = vector.shape_cast %get3A_370 : vector<16xf32> to vector<16xf32>
    %get3A_372 = arith.constant 512 : index
    %get3A_373 = tpu.vector_load %arg10[%get3A_372] {strides = array<i32>} : memref<1024xf32, #tpu.memory_space<vmem>>, vector<16xf32>,
    %get3A_374 = vector.shape_cast %get3A_373 : vector<16xf32> to vector<16xf32>
    %add3A_375 = arith.addf %get3A_371, %get3A_374 : vector<16xf32>
    %swap3A_376 = arith.constant 512 : index
    %swap3A_377 = tpu.vector_load %arg9[%swap3A_376] {strides = array<i32>} : memref<1024xf32, #tpu.memory_space<vmem>>, vector<16xf32>,
    %swap3A_378 = vector.shape_cast %swap3A_377 : vector<16xf32> to vector<16xf32>
    %swap3A_379 = vector.shape_cast %add3A_375 : vector<16xf32> to vector<16xf32>
    tpu.vector_store %arg9[%swap3A_376], %swap3A_379 {strides = array<i32>} : memref<1024xf32, #tpu.memory_space<vmem>>, vector<16xf32>,
    %get3A_380 = arith.constant 528 : index
    %get3A_381 = tpu.vector_load %arg9[%get3A_380] {strides = array<i32>} : memref<1024xf32, #tpu.memory_space<vmem>>, vector<16xf32>,
    %get3A_382 = vector.shape_cast %get3A_381 : vector<16xf32> to vector<16xf32>
    %get3A_383 = arith.constant 528 : index
    %get3A_384 = tpu.vector_load %arg10[%get3A_383] {strides = array<i32>} : memref<1024xf32, #tpu.memory_space<vmem>>, vector<16xf32>,
    %get3A_385 = vector.shape_cast %get3A_384 : vector<16xf32> to vector<16xf32>
    %add3A_386 = arith.addf %get3A_382, %get3A_385 : vector<16xf32>
    %swap3A_387 = arith.constant 528 : index
    %swap3A_388 = tpu.vector_load %arg9[%swap3A_387] {strides = array<i32>} : memref<1024xf32, #tpu.memory_space<vmem>>, vector<16xf32>,
    %swap3A_389 = vector.shape_cast %swap3A_388 : vector<16xf32> to vector<16xf32>
    %swap3A_390 = vector.shape_cast %add3A_386 : vector<16xf32> to vector<16xf32>
    tpu.vector_store %arg9[%swap3A_387], %swap3A_390 {strides = array<i32>} : memref<1024xf32, #tpu.memory_space<vmem>>, vector<16xf32>,
    %get3A_391 = arith.constant 544 : index
    %get3A_392 = tpu.vector_load %arg9[%get3A_391] {strides = array<i32>} : memref<1024xf32, #tpu.memory_space<vmem>>, vector<16xf32>,
    %get3A_393 = vector.shape_cast %get3A_392 : vector<16xf32> to vector<16xf32>
    %get3A_394 = arith.constant 544 : index
    %get3A_395 = tpu.vector_load %arg10[%get3A_394] {strides = array<i32>} : memref<1024xf32, #tpu.memory_space<vmem>>, vector<16xf32>,
    %get3A_396 = vector.shape_cast %get3A_395 : vector<16xf32> to vector<16xf32>
    %add3A_397 = arith.addf %get3A_393, %get3A_396 : vector<16xf32>
    %swap3A_398 = arith.constant 544 : index
    %swap3A_399 = tpu.vector_load %arg9[%swap3A_398] {strides = array<i32>} : memref<1024xf32, #tpu.memory_space<vmem>>, vector<16xf32>,
    %swap3A_400 = vector.shape_cast %swap3A_399 : vector<16xf32> to vector<16xf32>
    %swap3A_401 = vector.shape_cast %add3A_397 : vector<16xf32> to vector<16xf32>
    tpu.vector_store %arg9[%swap3A_398], %swap3A_401 {strides = array<i32>} : memref<1024xf32, #tpu.memory_space<vmem>>, vector<16xf32>,
    %get3A_402 = arith.constant 560 : index
    %get3A_403 = tpu.vector_load %arg9[%get3A_402] {strides = array<i32>} : memref<1024xf32, #tpu.memory_space<vmem>>, vector<16xf32>,
    %get3A_404 = vector.shape_cast %get3A_403 : vector<16xf32> to vector<16xf32>
    %get3A_405 = arith.constant 560 : index
    %get3A_406 = tpu.vector_load %arg10[%get3A_405] {strides = array<i32>} : memref<1024xf32, #tpu.memory_space<vmem>>, vector<16xf32>,
    %get3A_407 = vector.shape_cast %get3A_406 : vector<16xf32> to vector<16xf32>
    %add3A_408 = arith.addf %get3A_404, %get3A_407 : vector<16xf32>
    %swap3A_409 = arith.constant 560 : index
    %swap3A_410 = tpu.vector_load %arg9[%swap3A_409] {strides = array<i32>} : memref<1024xf32, #tpu.memory_space<vmem>>, vector<16xf32>,
    %swap3A_411 = vector.shape_cast %swap3A_410 : vector<16xf32> to vector<16xf32>
    %swap3A_412 = vector.shape_cast %add3A_408 : vector<16xf32> to vector<16xf32>
    tpu.vector_store %arg9[%swap3A_409], %swap3A_412 {strides = array<i32>} : memref<1024xf32, #tpu.memory_space<vmem>>, vector<16xf32>,
    %get3A_413 = arith.constant 576 : index
    %get3A_414 = tpu.vector_load %arg9[%get3A_413] {strides = array<i32>} : memref<1024xf32, #tpu.memory_space<vmem>>, vector<16xf32>,
    %get3A_415 = vector.shape_cast %get3A_414 : vector<16xf32> to vector<16xf32>
    %get3A_416 = arith.constant 576 : index
    %get3A_417 = tpu.vector_load %arg10[%get3A_416] {strides = array<i32>} : memref<1024xf32, #tpu.memory_space<vmem>>, vector<16xf32>,
    %get3A_418 = vector.shape_cast %get3A_417 : vector<16xf32> to vector<16xf32>
    %add3A_419 = arith.addf %get3A_415, %get3A_418 : vector<16xf32>
    %swap3A_420 = arith.constant 576 : index
    %swap3A_421 = tpu.vector_load %arg9[%swap3A_420] {strides = array<i32>} : memref<1024xf32, #tpu.memory_space<vmem>>, vector<16xf32>,
    %swap3A_422 = vector.shape_cast %swap3A_421 : vector<16xf32> to vector<16xf32>
    %swap3A_423 = vector.shape_cast %add3A_419 : vector<16xf32> to vector<16xf32>
    tpu.vector_store %arg9[%swap3A_420], %swap3A_423 {strides = array<i32>} : memref<1024xf32, #tpu.memory_space<vmem>>, vector<16xf32>,
    %get3A_424 = arith.constant 592 : index
    %get3A_425 = tpu.vector_load %arg9[%get3A_424] {strides = array<i32>} : memref<1024xf32, #tpu.memory_space<vmem>>, vector<16xf32>,
    %get3A_426 = vector.shape_cast %get3A_425 : vector<16xf32> to vector<16xf32>
    %get3A_427 = arith.constant 592 : index
    %get3A_428 = tpu.vector_load %arg10[%get3A_427] {strides = array<i32>} : memref<1024xf32, #tpu.memory_space<vmem>>, vector<16xf32>,
    %get3A_429 = vector.shape_cast %get3A_428 : vector<16xf32> to vector<16xf32>
    %add3A_430 = arith.addf %get3A_426, %get3A_429 : vector<16xf32>
    %swap3A_431 = arith.constant 592 : index
    %swap3A_432 = tpu.vector_load %arg9[%swap3A_431] {strides = array<i32>} : memref<1024xf32, #tpu.memory_space<vmem>>, vector<16xf32>,
    %swap3A_433 = vector.shape_cast %swap3A_432 : vector<16xf32> to vector<16xf32>
    %swap3A_434 = vector.shape_cast %add3A_430 : vector<16xf32> to vector<16xf32>
    tpu.vector_store %arg9[%swap3A_431], %swap3A_434 {strides = array<i32>} : memref<1024xf32, #tpu.memory_space<vmem>>, vector<16xf32>,
    %get3A_435 = arith.constant 608 : index
    %get3A_436 = tpu.vector_load %arg9[%get3A_435] {strides = array<i32>} : memref<1024xf32, #tpu.memory_space<vmem>>, vector<16xf32>,
    %get3A_437 = vector.shape_cast %get3A_436 : vector<16xf32> to vector<16xf32>
    %get3A_438 = arith.constant 608 : index
    %get3A_439 = tpu.vector_load %arg10[%get3A_438] {strides = array<i32>} : memref<1024xf32, #tpu.memory_space<vmem>>, vector<16xf32>,
    %get3A_440 = vector.shape_cast %get3A_439 : vector<16xf32> to vector<16xf32>
    %add3A_441 = arith.addf %get3A_437, %get3A_440 : vector<16xf32>
    %swap3A_442 = arith.constant 608 : index
    %swap3A_443 = tpu.vector_load %arg9[%swap3A_442] {strides = array<i32>} : memref<1024xf32, #tpu.memory_space<vmem>>, vector<16xf32>,
    %swap3A_444 = vector.shape_cast %swap3A_443 : vector<16xf32> to vector<16xf32>
    %swap3A_445 = vector.shape_cast %add3A_441 : vector<16xf32> to vector<16xf32>
    tpu.vector_store %arg9[%swap3A_442], %swap3A_445 {strides = array<i32>} : memref<1024xf32, #tpu.memory_space<vmem>>, vector<16xf32>,
    %get3A_446 = arith.constant 624 : index
    %get3A_447 = tpu.vector_load %arg9[%get3A_446] {strides = array<i32>} : memref<1024xf32, #tpu.memory_space<vmem>>, vector<16xf32>,
    %get3A_448 = vector.shape_cast %get3A_447 : vector<16xf32> to vector<16xf32>
    %get3A_449 = arith.constant 624 : index
    %get3A_450 = tpu.vector_load %arg10[%get3A_449] {strides = array<i32>} : memref<1024xf32, #tpu.memory_space<vmem>>, vector<16xf32>,
    %get3A_451 = vector.shape_cast %get3A_450 : vector<16xf32> to vector<16xf32>
    %add3A_452 = arith.addf %get3A_448, %get3A_451 : vector<16xf32>
    %swap3A_453 = arith.constant 624 : index
    %swap3A_454 = tpu.vector_load %arg9[%swap3A_453] {strides = array<i32>} : memref<1024xf32, #tpu.memory_space<vmem>>, vector<16xf32>,
    %swap3A_455 = vector.shape_cast %swap3A_454 : vector<16xf32> to vector<16xf32>
    %swap3A_456 = vector.shape_cast %add3A_452 : vector<16xf32> to vector<16xf32>
    tpu.vector_store %arg9[%swap3A_453], %swap3A_456 {strides = array<i32>} : memref<1024xf32, #tpu.memory_space<vmem>>, vector<16xf32>,
    %get3A_457 = arith.constant 640 : index
    %get3A_458 = tpu.vector_load %arg9[%get3A_457] {strides = array<i32>} : memref<1024xf32, #tpu.memory_space<vmem>>, vector<16xf32>,
    %get3A_459 = vector.shape_cast %get3A_458 : vector<16xf32> to vector<16xf32>
    %get3A_460 = arith.constant 640 : index
    %get3A_461 = tpu.vector_load %arg10[%get3A_460] {strides = array<i32>} : memref<1024xf32, #tpu.memory_space<vmem>>, vector<16xf32>,
    %get3A_462 = vector.shape_cast %get3A_461 : vector<16xf32> to vector<16xf32>
    %add3A_463 = arith.addf %get3A_459, %get3A_462 : vector<16xf32>
    %swap3A_464 = arith.constant 640 : index
    %swap3A_465 = tpu.vector_load %arg9[%swap3A_464] {strides = array<i32>} : memref<1024xf32, #tpu.memory_space<vmem>>, vector<16xf32>,
    %swap3A_466 = vector.shape_cast %swap3A_465 : vector<16xf32> to vector<16xf32>
    %swap3A_467 = vector.shape_cast %add3A_463 : vector<16xf32> to vector<16xf32>
    tpu.vector_store %arg9[%swap3A_464], %swap3A_467 {strides = array<i32>} : memref<1024xf32, #tpu.memory_space<vmem>>, vector<16xf32>,
    %get3A_468 = arith.constant 656 : index
    %get3A_469 = tpu.vector_load %arg9[%get3A_468] {strides = array<i32>} : memref<1024xf32, #tpu.memory_space<vmem>>, vector<16xf32>,
    %get3A_470 = vector.shape_cast %get3A_469 : vector<16xf32> to vector<16xf32>
    %get3A_471 = arith.constant 656 : index
    %get3A_472 = tpu.vector_load %arg10[%get3A_471] {strides = array<i32>} : memref<1024xf32, #tpu.memory_space<vmem>>, vector<16xf32>,
    %get3A_473 = vector.shape_cast %get3A_472 : vector<16xf32> to vector<16xf32>
    %add3A_474 = arith.addf %get3A_470, %get3A_473 : vector<16xf32>
    %swap3A_475 = arith.constant 656 : index
    %swap3A_476 = tpu.vector_load %arg9[%swap3A_475] {strides = array<i32>} : memref<1024xf32, #tpu.memory_space<vmem>>, vector<16xf32>,
    %swap3A_477 = vector.shape_cast %swap3A_476 : vector<16xf32> to vector<16xf32>
    %swap3A_478 = vector.shape_cast %add3A_474 : vector<16xf32> to vector<16xf32>
    tpu.vector_store %arg9[%swap3A_475], %swap3A_478 {strides = array<i32>} : memref<1024xf32, #tpu.memory_space<vmem>>, vector<16xf32>,
    %get3A_479 = arith.constant 672 : index
    %get3A_480 = tpu.vector_load %arg9[%get3A_479] {strides = array<i32>} : memref<1024xf32, #tpu.memory_space<vmem>>, vector<16xf32>,
    %get3A_481 = vector.shape_cast %get3A_480 : vector<16xf32> to vector<16xf32>
    %get3A_482 = arith.constant 672 : index
    %get3A_483 = tpu.vector_load %arg10[%get3A_482] {strides = array<i32>} : memref<1024xf32, #tpu.memory_space<vmem>>, vector<16xf32>,
    %get3A_484 = vector.shape_cast %get3A_483 : vector<16xf32> to vector<16xf32>
    %add3A_485 = arith.addf %get3A_481, %get3A_484 : vector<16xf32>
    %swap3A_486 = arith.constant 672 : index
    %swap3A_487 = tpu.vector_load %arg9[%swap3A_486] {strides = array<i32>} : memref<1024xf32, #tpu.memory_space<vmem>>, vector<16xf32>,
    %swap3A_488 = vector.shape_cast %swap3A_487 : vector<16xf32> to vector<16xf32>
    %swap3A_489 = vector.shape_cast %add3A_485 : vector<16xf32> to vector<16xf32>
    tpu.vector_store %arg9[%swap3A_486], %swap3A_489 {strides = array<i32>} : memref<1024xf32, #tpu.memory_space<vmem>>, vector<16xf32>,
    %get3A_490 = arith.constant 688 : index
    %get3A_491 = tpu.vector_load %arg9[%get3A_490] {strides = array<i32>} : memref<1024xf32, #tpu.memory_space<vmem>>, vector<16xf32>,
    %get3A_492 = vector.shape_cast %get3A_491 : vector<16xf32> to vector<16xf32>
    %get3A_493 = arith.constant 688 : index
    %get3A_494 = tpu.vector_load %arg10[%get3A_493] {strides = array<i32>} : memref<1024xf32, #tpu.memory_space<vmem>>, vector<16xf32>,
    %get3A_495 = vector.shape_cast %get3A_494 : vector<16xf32> to vector<16xf32>
    %add3A_496 = arith.addf %get3A_492, %get3A_495 : vector<16xf32>
    %swap3A_497 = arith.constant 688 : index
    %swap3A_498 = tpu.vector_load %arg9[%swap3A_497] {strides = array<i32>} : memref<1024xf32, #tpu.memory_space<vmem>>, vector<16xf32>,
    %swap3A_499 = vector.shape_cast %swap3A_498 : vector<16xf32> to vector<16xf32>
    %swap3A_500 = vector.shape_cast %add3A_496 : vector<16xf32> to vector<16xf32>
    tpu.vector_store %arg9[%swap3A_497], %swap3A_500 {strides = array<i32>} : memref<1024xf32, #tpu.memory_space<vmem>>, vector<16xf32>,
    %get3A_501 = arith.constant 704 : index
    %get3A_502 = tpu.vector_load %arg9[%get3A_501] {strides = array<i32>} : memref<1024xf32, #tpu.memory_space<vmem>>, vector<16xf32>,
    %get3A_503 = vector.shape_cast %get3A_502 : vector<16xf32> to vector<16xf32>
    %get3A_504 = arith.constant 704 : index
    %get3A_505 = tpu.vector_load %arg10[%get3A_504] {strides = array<i32>} : memref<1024xf32, #tpu.memory_space<vmem>>, vector<16xf32>,
    %get3A_506 = vector.shape_cast %get3A_505 : vector<16xf32> to vector<16xf32>
    %add3A_507 = arith.addf %get3A_503, %get3A_506 : vector<16xf32>
    %swap3A_508 = arith.constant 704 : index
    %swap3A_509 = tpu.vector_load %arg9[%swap3A_508] {strides = array<i32>} : memref<1024xf32, #tpu.memory_space<vmem>>, vector<16xf32>,
    %swap3A_510 = vector.shape_cast %swap3A_509 : vector<16xf32> to vector<16xf32>
    %swap3A_511 = vector.shape_cast %add3A_507 : vector<16xf32> to vector<16xf32>
    tpu.vector_store %arg9[%swap3A_508], %swap3A_511 {strides = array<i32>} : memref<1024xf32, #tpu.memory_space<vmem>>, vector<16xf32>,
    %get3A_512 = arith.constant 720 : index
    %get3A_513 = tpu.vector_load %arg9[%get3A_512] {strides = array<i32>} : memref<1024xf32, #tpu.memory_space<vmem>>, vector<16xf32>,
    %get3A_514 = vector.shape_cast %get3A_513 : vector<16xf32> to vector<16xf32>
    %get3A_515 = arith.constant 720 : index
    %get3A_516 = tpu.vector_load %arg10[%get3A_515] {strides = array<i32>} : memref<1024xf32, #tpu.memory_space<vmem>>, vector<16xf32>,
    %get3A_517 = vector.shape_cast %get3A_516 : vector<16xf32> to vector<16xf32>
    %add3A_518 = arith.addf %get3A_514, %get3A_517 : vector<16xf32>
    %swap3A_519 = arith.constant 720 : index
    %swap3A_520 = tpu.vector_load %arg9[%swap3A_519] {strides = array<i32>} : memref<1024xf32, #tpu.memory_space<vmem>>, vector<16xf32>,
    %swap3A_521 = vector.shape_cast %swap3A_520 : vector<16xf32> to vector<16xf32>
    %swap3A_522 = vector.shape_cast %add3A_518 : vector<16xf32> to vector<16xf32>
    tpu.vector_store %arg9[%swap3A_519], %swap3A_522 {strides = array<i32>} : memref<1024xf32, #tpu.memory_space<vmem>>, vector<16xf32>,
    %get3A_523 = arith.constant 736 : index
    %get3A_524 = tpu.vector_load %arg9[%get3A_523] {strides = array<i32>} : memref<1024xf32, #tpu.memory_space<vmem>>, vector<16xf32>,
    %get3A_525 = vector.shape_cast %get3A_524 : vector<16xf32> to vector<16xf32>
    %get3A_526 = arith.constant 736 : index
    %get3A_527 = tpu.vector_load %arg10[%get3A_526] {strides = array<i32>} : memref<1024xf32, #tpu.memory_space<vmem>>, vector<16xf32>,
    %get3A_528 = vector.shape_cast %get3A_527 : vector<16xf32> to vector<16xf32>
    %add3A_529 = arith.addf %get3A_525, %get3A_528 : vector<16xf32>
    %swap3A_530 = arith.constant 736 : index
    %swap3A_531 = tpu.vector_load %arg9[%swap3A_530] {strides = array<i32>} : memref<1024xf32, #tpu.memory_space<vmem>>, vector<16xf32>,
    %swap3A_532 = vector.shape_cast %swap3A_531 : vector<16xf32> to vector<16xf32>
    %swap3A_533 = vector.shape_cast %add3A_529 : vector<16xf32> to vector<16xf32>
    tpu.vector_store %arg9[%swap3A_530], %swap3A_533 {strides = array<i32>} : memref<1024xf32, #tpu.memory_space<vmem>>, vector<16xf32>,
    %get3A_534 = arith.constant 752 : index
    %get3A_535 = tpu.vector_load %arg9[%get3A_534] {strides = array<i32>} : memref<1024xf32, #tpu.memory_space<vmem>>, vector<16xf32>,
    %get3A_536 = vector.shape_cast %get3A_535 : vector<16xf32> to vector<16xf32>
    %get3A_537 = arith.constant 752 : index
    %get3A_538 = tpu.vector_load %arg10[%get3A_537] {strides = array<i32>} : memref<1024xf32, #tpu.memory_space<vmem>>, vector<16xf32>,
    %get3A_539 = vector.shape_cast %get3A_538 : vector<16xf32> to vector<16xf32>
    %add3A_540 = arith.addf %get3A_536, %get3A_539 : vector<16xf32>
    %swap3A_541 = arith.constant 752 : index
    %swap3A_542 = tpu.vector_load %arg9[%swap3A_541] {strides = array<i32>} : memref<1024xf32, #tpu.memory_space<vmem>>, vector<16xf32>,
    %swap3A_543 = vector.shape_cast %swap3A_542 : vector<16xf32> to vector<16xf32>
    %swap3A_544 = vector.shape_cast %add3A_540 : vector<16xf32> to vector<16xf32>
    tpu.vector_store %arg9[%swap3A_541], %swap3A_544 {strides = array<i32>} : memref<1024xf32, #tpu.memory_space<vmem>>, vector<16xf32>,
    %get3A_545 = arith.constant 768 : index
    %get3A_546 = tpu.vector_load %arg9[%get3A_545] {strides = array<i32>} : memref<1024xf32, #tpu.memory_space<vmem>>, vector<16xf32>,
    %get3A_547 = vector.shape_cast %get3A_546 : vector<16xf32> to vector<16xf32>
    %get3A_548 = arith.constant 768 : index
    %get3A_549 = tpu.vector_load %arg10[%get3A_548] {strides = array<i32>} : memref<1024xf32, #tpu.memory_space<vmem>>, vector<16xf32>,
    %get3A_550 = vector.shape_cast %get3A_549 : vector<16xf32> to vector<16xf32>
    %add3A_551 = arith.addf %get3A_547, %get3A_550 : vector<16xf32>
    %swap3A_552 = arith.constant 768 : index
    %swap3A_553 = tpu.vector_load %arg9[%swap3A_552] {strides = array<i32>} : memref<1024xf32, #tpu.memory_space<vmem>>, vector<16xf32>,
    %swap3A_554 = vector.shape_cast %swap3A_553 : vector<16xf32> to vector<16xf32>
    %swap3A_555 = vector.shape_cast %add3A_551 : vector<16xf32> to vector<16xf32>
    tpu.vector_store %arg9[%swap3A_552], %swap3A_555 {strides = array<i32>} : memref<1024xf32, #tpu.memory_space<vmem>>, vector<16xf32>,
    %get3A_556 = arith.constant 784 : index
    %get3A_557 = tpu.vector_load %arg9[%get3A_556] {strides = array<i32>} : memref<1024xf32, #tpu.memory_space<vmem>>, vector<16xf32>,
    %get3A_558 = vector.shape_cast %get3A_557 : vector<16xf32> to vector<16xf32>
    %get3A_559 = arith.constant 784 : index
    %get3A_560 = tpu.vector_load %arg10[%get3A_559] {strides = array<i32>} : memref<1024xf32, #tpu.memory_space<vmem>>, vector<16xf32>,
    %get3A_561 = vector.shape_cast %get3A_560 : vector<16xf32> to vector<16xf32>
    %add3A_562 = arith.addf %get3A_558, %get3A_561 : vector<16xf32>
    %swap3A_563 = arith.constant 784 : index
    %swap3A_564 = tpu.vector_load %arg9[%swap3A_563] {strides = array<i32>} : memref<1024xf32, #tpu.memory_space<vmem>>, vector<16xf32>,
    %swap3A_565 = vector.shape_cast %swap3A_564 : vector<16xf32> to vector<16xf32>
    %swap3A_566 = vector.shape_cast %add3A_562 : vector<16xf32> to vector<16xf32>
    tpu.vector_store %arg9[%swap3A_563], %swap3A_566 {strides = array<i32>} : memref<1024xf32, #tpu.memory_space<vmem>>, vector<16xf32>,
    %get3A_567 = arith.constant 800 : index
    %get3A_568 = tpu.vector_load %arg9[%get3A_567] {strides = array<i32>} : memref<1024xf32, #tpu.memory_space<vmem>>, vector<16xf32>,
    %get3A_569 = vector.shape_cast %get3A_568 : vector<16xf32> to vector<16xf32>
    %get3A_570 = arith.constant 800 : index
    %get3A_571 = tpu.vector_load %arg10[%get3A_570] {strides = array<i32>} : memref<1024xf32, #tpu.memory_space<vmem>>, vector<16xf32>,
    %get3A_572 = vector.shape_cast %get3A_571 : vector<16xf32> to vector<16xf32>
    %add3A_573 = arith.addf %get3A_569, %get3A_572 : vector<16xf32>
    %swap3A_574 = arith.constant 800 : index
    %swap3A_575 = tpu.vector_load %arg9[%swap3A_574] {strides = array<i32>} : memref<1024xf32, #tpu.memory_space<vmem>>, vector<16xf32>,
    %swap3A_576 = vector.shape_cast %swap3A_575 : vector<16xf32> to vector<16xf32>
    %swap3A_577 = vector.shape_cast %add3A_573 : vector<16xf32> to vector<16xf32>
    tpu.vector_store %arg9[%swap3A_574], %swap3A_577 {strides = array<i32>} : memref<1024xf32, #tpu.memory_space<vmem>>, vector<16xf32>,
    %get3A_578 = arith.constant 816 : index
    %get3A_579 = tpu.vector_load %arg9[%get3A_578] {strides = array<i32>} : memref<1024xf32, #tpu.memory_space<vmem>>, vector<16xf32>,
    %get3A_580 = vector.shape_cast %get3A_579 : vector<16xf32> to vector<16xf32>
    %get3A_581 = arith.constant 816 : index
    %get3A_582 = tpu.vector_load %arg10[%get3A_581] {strides = array<i32>} : memref<1024xf32, #tpu.memory_space<vmem>>, vector<16xf32>,
    %get3A_583 = vector.shape_cast %get3A_582 : vector<16xf32> to vector<16xf32>
    %add3A_584 = arith.addf %get3A_580, %get3A_583 : vector<16xf32>
    %swap3A_585 = arith.constant 816 : index
    %swap3A_586 = tpu.vector_load %arg9[%swap3A_585] {strides = array<i32>} : memref<1024xf32, #tpu.memory_space<vmem>>, vector<16xf32>,
    %swap3A_587 = vector.shape_cast %swap3A_586 : vector<16xf32> to vector<16xf32>
    %swap3A_588 = vector.shape_cast %add3A_584 : vector<16xf32> to vector<16xf32>
    tpu.vector_store %arg9[%swap3A_585], %swap3A_588 {strides = array<i32>} : memref<1024xf32, #tpu.memory_space<vmem>>, vector<16xf32>,
    %get3A_589 = arith.constant 832 : index
    %get3A_590 = tpu.vector_load %arg9[%get3A_589] {strides = array<i32>} : memref<1024xf32, #tpu.memory_space<vmem>>, vector<16xf32>,
    %get3A_591 = vector.shape_cast %get3A_590 : vector<16xf32> to vector<16xf32>
    %get3A_592 = arith.constant 832 : index
    %get3A_593 = tpu.vector_load %arg10[%get3A_592] {strides = array<i32>} : memref<1024xf32, #tpu.memory_space<vmem>>, vector<16xf32>,
    %get3A_594 = vector.shape_cast %get3A_593 : vector<16xf32> to vector<16xf32>
    %add3A_595 = arith.addf %get3A_591, %get3A_594 : vector<16xf32>
    %swap3A_596 = arith.constant 832 : index
    %swap3A_597 = tpu.vector_load %arg9[%swap3A_596] {strides = array<i32>} : memref<1024xf32, #tpu.memory_space<vmem>>, vector<16xf32>,
    %swap3A_598 = vector.shape_cast %swap3A_597 : vector<16xf32> to vector<16xf32>
    %swap3A_599 = vector.shape_cast %add3A_595 : vector<16xf32> to vector<16xf32>
    tpu.vector_store %arg9[%swap3A_596], %swap3A_599 {strides = array<i32>} : memref<1024xf32, #tpu.memory_space<vmem>>, vector<16xf32>,
    %get3A_600 = arith.constant 848 : index
    %get3A_601 = tpu.vector_load %arg9[%get3A_600] {strides = array<i32>} : memref<1024xf32, #tpu.memory_space<vmem>>, vector<16xf32>,
    %get3A_602 = vector.shape_cast %get3A_601 : vector<16xf32> to vector<16xf32>
    %get3A_603 = arith.constant 848 : index
    %get3A_604 = tpu.vector_load %arg10[%get3A_603] {strides = array<i32>} : memref<1024xf32, #tpu.memory_space<vmem>>, vector<16xf32>,
    %get3A_605 = vector.shape_cast %get3A_604 : vector<16xf32> to vector<16xf32>
    %add3A_606 = arith.addf %get3A_602, %get3A_605 : vector<16xf32>
    %swap3A_607 = arith.constant 848 : index
    %swap3A_608 = tpu.vector_load %arg9[%swap3A_607] {strides = array<i32>} : memref<1024xf32, #tpu.memory_space<vmem>>, vector<16xf32>,
    %swap3A_609 = vector.shape_cast %swap3A_608 : vector<16xf32> to vector<16xf32>
    %swap3A_610 = vector.shape_cast %add3A_606 : vector<16xf32> to vector<16xf32>
    tpu.vector_store %arg9[%swap3A_607], %swap3A_610 {strides = array<i32>} : memref<1024xf32, #tpu.memory_space<vmem>>, vector<16xf32>,
    %get3A_611 = arith.constant 864 : index
    %get3A_612 = tpu.vector_load %arg9[%get3A_611] {strides = array<i32>} : memref<1024xf32, #tpu.memory_space<vmem>>, vector<16xf32>,
    %get3A_613 = vector.shape_cast %get3A_612 : vector<16xf32> to vector<16xf32>
    %get3A_614 = arith.constant 864 : index
    %get3A_615 = tpu.vector_load %arg10[%get3A_614] {strides = array<i32>} : memref<1024xf32, #tpu.memory_space<vmem>>, vector<16xf32>,
    %get3A_616 = vector.shape_cast %get3A_615 : vector<16xf32> to vector<16xf32>
    %add3A_617 = arith.addf %get3A_613, %get3A_616 : vector<16xf32>
    %swap3A_618 = arith.constant 864 : index
    %swap3A_619 = tpu.vector_load %arg9[%swap3A_618] {strides = array<i32>} : memref<1024xf32, #tpu.memory_space<vmem>>, vector<16xf32>,
    %swap3A_620 = vector.shape_cast %swap3A_619 : vector<16xf32> to vector<16xf32>
    %swap3A_621 = vector.shape_cast %add3A_617 : vector<16xf32> to vector<16xf32>
    tpu.vector_store %arg9[%swap3A_618], %swap3A_621 {strides = array<i32>} : memref<1024xf32, #tpu.memory_space<vmem>>, vector<16xf32>,
    %get3A_622 = arith.constant 880 : index
    %get3A_623 = tpu.vector_load %arg9[%get3A_622] {strides = array<i32>} : memref<1024xf32, #tpu.memory_space<vmem>>, vector<16xf32>,
    %get3A_624 = vector.shape_cast %get3A_623 : vector<16xf32> to vector<16xf32>
    %get3A_625 = arith.constant 880 : index
    %get3A_626 = tpu.vector_load %arg10[%get3A_625] {strides = array<i32>} : memref<1024xf32, #tpu.memory_space<vmem>>, vector<16xf32>,
    %get3A_627 = vector.shape_cast %get3A_626 : vector<16xf32> to vector<16xf32>
    %add3A_628 = arith.addf %get3A_624, %get3A_627 : vector<16xf32>
    %swap3A_629 = arith.constant 880 : index
    %swap3A_630 = tpu.vector_load %arg9[%swap3A_629] {strides = array<i32>} : memref<1024xf32, #tpu.memory_space<vmem>>, vector<16xf32>,
    %swap3A_631 = vector.shape_cast %swap3A_630 : vector<16xf32> to vector<16xf32>
    %swap3A_632 = vector.shape_cast %add3A_628 : vector<16xf32> to vector<16xf32>
    tpu.vector_store %arg9[%swap3A_629], %swap3A_632 {strides = array<i32>} : memref<1024xf32, #tpu.memory_space<vmem>>, vector<16xf32>,
    %get3A_633 = arith.constant 896 : index
    %get3A_634 = tpu.vector_load %arg9[%get3A_633] {strides = array<i32>} : memref<1024xf32, #tpu.memory_space<vmem>>, vector<16xf32>,
    %get3A_635 = vector.shape_cast %get3A_634 : vector<16xf32> to vector<16xf32>
    %get3A_636 = arith.constant 896 : index
    %get3A_637 = tpu.vector_load %arg10[%get3A_636] {strides = array<i32>} : memref<1024xf32, #tpu.memory_space<vmem>>, vector<16xf32>,
    %get3A_638 = vector.shape_cast %get3A_637 : vector<16xf32> to vector<16xf32>
    %add3A_639 = arith.addf %get3A_635, %get3A_638 : vector<16xf32>
    %swap3A_640 = arith.constant 896 : index
    %swap3A_641 = tpu.vector_load %arg9[%swap3A_640] {strides = array<i32>} : memref<1024xf32, #tpu.memory_space<vmem>>, vector<16xf32>,
    %swap3A_642 = vector.shape_cast %swap3A_641 : vector<16xf32> to vector<16xf32>
    %swap3A_643 = vector.shape_cast %add3A_639 : vector<16xf32> to vector<16xf32>
    tpu.vector_store %arg9[%swap3A_640], %swap3A_643 {strides = array<i32>} : memref<1024xf32, #tpu.memory_space<vmem>>, vector<16xf32>,
    %get3A_644 = arith.constant 912 : index
    %get3A_645 = tpu.vector_load %arg9[%get3A_644] {strides = array<i32>} : memref<1024xf32, #tpu.memory_space<vmem>>, vector<16xf32>,
    %get3A_646 = vector.shape_cast %get3A_645 : vector<16xf32> to vector<16xf32>
    %get3A_647 = arith.constant 912 : index
    %get3A_648 = tpu.vector_load %arg10[%get3A_647] {strides = array<i32>} : memref<1024xf32, #tpu.memory_space<vmem>>, vector<16xf32>,
    %get3A_649 = vector.shape_cast %get3A_648 : vector<16xf32> to vector<16xf32>
    %add3A_650 = arith.addf %get3A_646, %get3A_649 : vector<16xf32>
    %swap3A_651 = arith.constant 912 : index
    %swap3A_652 = tpu.vector_load %arg9[%swap3A_651] {strides = array<i32>} : memref<1024xf32, #tpu.memory_space<vmem>>, vector<16xf32>,
    %swap3A_653 = vector.shape_cast %swap3A_652 : vector<16xf32> to vector<16xf32>
    %swap3A_654 = vector.shape_cast %add3A_650 : vector<16xf32> to vector<16xf32>
    tpu.vector_store %arg9[%swap3A_651], %swap3A_654 {strides = array<i32>} : memref<1024xf32, #tpu.memory_space<vmem>>, vector<16xf32>,
    %get3A_655 = arith.constant 928 : index
    %get3A_656 = tpu.vector_load %arg9[%get3A_655] {strides = array<i32>} : memref<1024xf32, #tpu.memory_space<vmem>>, vector<16xf32>,
    %get3A_657 = vector.shape_cast %get3A_656 : vector<16xf32> to vector<16xf32>
    %get3A_658 = arith.constant 928 : index
    %get3A_659 = tpu.vector_load %arg10[%get3A_658] {strides = array<i32>} : memref<1024xf32, #tpu.memory_space<vmem>>, vector<16xf32>,
    %get3A_660 = vector.shape_cast %get3A_659 : vector<16xf32> to vector<16xf32>
    %add3A_661 = arith.addf %get3A_657, %get3A_660 : vector<16xf32>
    %swap3A_662 = arith.constant 928 : index
    %swap3A_663 = tpu.vector_load %arg9[%swap3A_662] {strides = array<i32>} : memref<1024xf32, #tpu.memory_space<vmem>>, vector<16xf32>,
    %swap3A_664 = vector.shape_cast %swap3A_663 : vector<16xf32> to vector<16xf32>
    %swap3A_665 = vector.shape_cast %add3A_661 : vector<16xf32> to vector<16xf32>
    tpu.vector_store %arg9[%swap3A_662], %swap3A_665 {strides = array<i32>} : memref<1024xf32, #tpu.memory_space<vmem>>, vector<16xf32>,
    %get3A_666 = arith.constant 944 : index
    %get3A_667 = tpu.vector_load %arg9[%get3A_666] {strides = array<i32>} : memref<1024xf32, #tpu.memory_space<vmem>>, vector<16xf32>,
    %get3A_668 = vector.shape_cast %get3A_667 : vector<16xf32> to vector<16xf32>
    %get3A_669 = arith.constant 944 : index
    %get3A_670 = tpu.vector_load %arg10[%get3A_669] {strides = array<i32>} : memref<1024xf32, #tpu.memory_space<vmem>>, vector<16xf32>,
    %get3A_671 = vector.shape_cast %get3A_670 : vector<16xf32> to vector<16xf32>
    %add3A_672 = arith.addf %get3A_668, %get3A_671 : vector<16xf32>
    %swap3A_673 = arith.constant 944 : index
    %swap3A_674 = tpu.vector_load %arg9[%swap3A_673] {strides = array<i32>} : memref<1024xf32, #tpu.memory_space<vmem>>, vector<16xf32>,
    %swap3A_675 = vector.shape_cast %swap3A_674 : vector<16xf32> to vector<16xf32>
    %swap3A_676 = vector.shape_cast %add3A_672 : vector<16xf32> to vector<16xf32>
    tpu.vector_store %arg9[%swap3A_673], %swap3A_676 {strides = array<i32>} : memref<1024xf32, #tpu.memory_space<vmem>>, vector<16xf32>,
    %get3A_677 = arith.constant 960 : index
    %get3A_678 = tpu.vector_load %arg9[%get3A_677] {strides = array<i32>} : memref<1024xf32, #tpu.memory_space<vmem>>, vector<16xf32>,
    %get3A_679 = vector.shape_cast %get3A_678 : vector<16xf32> to vector<16xf32>
    %get3A_680 = arith.constant 960 : index
    %get3A_681 = tpu.vector_load %arg10[%get3A_680] {strides = array<i32>} : memref<1024xf32, #tpu.memory_space<vmem>>, vector<16xf32>,
    %get3A_682 = vector.shape_cast %get3A_681 : vector<16xf32> to vector<16xf32>
    %add3A_683 = arith.addf %get3A_679, %get3A_682 : vector<16xf32>
    %swap3A_684 = arith.constant 960 : index
    %swap3A_685 = tpu.vector_load %arg9[%swap3A_684] {strides = array<i32>} : memref<1024xf32, #tpu.memory_space<vmem>>, vector<16xf32>,
    %swap3A_686 = vector.shape_cast %swap3A_685 : vector<16xf32> to vector<16xf32>
    %swap3A_687 = vector.shape_cast %add3A_683 : vector<16xf32> to vector<16xf32>
    tpu.vector_store %arg9[%swap3A_684], %swap3A_687 {strides = array<i32>} : memref<1024xf32, #tpu.memory_space<vmem>>, vector<16xf32>,
    %get3A_688 = arith.constant 976 : index
    %get3A_689 = tpu.vector_load %arg9[%get3A_688] {strides = array<i32>} : memref<1024xf32, #tpu.memory_space<vmem>>, vector<16xf32>,
    %get3A_690 = vector.shape_cast %get3A_689 : vector<16xf32> to vector<16xf32>
    %get3A_691 = arith.constant 976 : index
    %get3A_692 = tpu.vector_load %arg10[%get3A_691] {strides = array<i32>} : memref<1024xf32, #tpu.memory_space<vmem>>, vector<16xf32>,
    %get3A_693 = vector.shape_cast %get3A_692 : vector<16xf32> to vector<16xf32>
    %add3A_694 = arith.addf %get3A_690, %get3A_693 : vector<16xf32>
    %swap3A_695 = arith.constant 976 : index
    %swap3A_696 = tpu.vector_load %arg9[%swap3A_695] {strides = array<i32>} : memref<1024xf32, #tpu.memory_space<vmem>>, vector<16xf32>,
    %swap3A_697 = vector.shape_cast %swap3A_696 : vector<16xf32> to vector<16xf32>
    %swap3A_698 = vector.shape_cast %add3A_694 : vector<16xf32> to vector<16xf32>
    tpu.vector_store %arg9[%swap3A_695], %swap3A_698 {strides = array<i32>} : memref<1024xf32, #tpu.memory_space<vmem>>, vector<16xf32>,
    %get3A_699 = arith.constant 992 : index
    %get3A_700 = tpu.vector_load %arg9[%get3A_699] {strides = array<i32>} : memref<1024xf32, #tpu.memory_space<vmem>>, vector<16xf32>,
    %get3A_701 = vector.shape_cast %get3A_700 : vector<16xf32> to vector<16xf32>
    %get3A_702 = arith.constant 992 : index
    %get3A_703 = tpu.vector_load %arg10[%get3A_702] {strides = array<i32>} : memref<1024xf32, #tpu.memory_space<vmem>>, vector<16xf32>,
    %get3A_704 = vector.shape_cast %get3A_703 : vector<16xf32> to vector<16xf32>
    %add3A_705 = arith.addf %get3A_701, %get3A_704 : vector<16xf32>
    %swap3A_706 = arith.constant 992 : index
    %swap3A_707 = tpu.vector_load %arg9[%swap3A_706] {strides = array<i32>} : memref<1024xf32, #tpu.memory_space<vmem>>, vector<16xf32>,
    %swap3A_708 = vector.shape_cast %swap3A_707 : vector<16xf32> to vector<16xf32>
    %swap3A_709 = vector.shape_cast %add3A_705 : vector<16xf32> to vector<16xf32>
    tpu.vector_store %arg9[%swap3A_706], %swap3A_709 {strides = array<i32>} : memref<1024xf32, #tpu.memory_space<vmem>>, vector<16xf32>,
    %get3A_710 = arith.constant 1008 : index
    %get3A_711 = tpu.vector_load %arg9[%get3A_710] {strides = array<i32>} : memref<1024xf32, #tpu.memory_space<vmem>>, vector<16xf32>,
    %get3A_712 = vector.shape_cast %get3A_711 : vector<16xf32> to vector<16xf32>
    %get3A_713 = arith.constant 1008 : index
    %get3A_714 = tpu.vector_load %arg10[%get3A_713] {strides = array<i32>} : memref<1024xf32, #tpu.memory_space<vmem>>, vector<16xf32>,
    %get3A_715 = vector.shape_cast %get3A_714 : vector<16xf32> to vector<16xf32>
    %add3A_716 = arith.addf %get3A_712, %get3A_715 : vector<16xf32>
    %swap3A_717 = arith.constant 1008 : index
    %swap3A_718 = tpu.vector_load %arg9[%swap3A_717] {strides = array<i32>} : memref<1024xf32, #tpu.memory_space<vmem>>, vector<16xf32>,
    %swap3A_719 = vector.shape_cast %swap3A_718 : vector<16xf32> to vector<16xf32>
    %swap3A_720 = vector.shape_cast %add3A_716 : vector<16xf32> to vector<16xf32>
    tpu.vector_store %arg9[%swap3A_717], %swap3A_720 {strides = array<i32>} : memref<1024xf32, #tpu.memory_space<vmem>>, vector<16xf32>,
    %add3A_721 = arith.constant 0 : i32
    %add3A_722 = arith.addi %mul3A_2, %add3A_721 : i32
    %dma_start3A_723 = tpu.memref_slice %arg6[%add3A_722] : memref<16384xf32, #tpu.memory_space<hbm>> -> memref<1024xf32, #tpu.memory_space<hbm>>
    %dma_start3A_724 = tpu.memref_slice %arg6[%add3A_722] : memref<16384xf32, #tpu.memory_space<hbm>> -> memref<1024xf32, #tpu.memory_space<hbm>>
    tpu.enqueue_dma source(%arg9 : memref<1024xf32, #tpu.memory_space<vmem>>) target(%dma_start3A_724 : memref<1024xf32, #tpu.memory_space<hbm>>) target_semaphore(%arg13 : memref<!tpu.dma_semaphore, #tpu.memory_space<semaphore_mem>>)
    %dma_wait3A_725 = tpu.memref_slice %arg6[%add3A_722] : memref<16384xf32, #tpu.memory_space<hbm>> -> memref<1024xf32, #tpu.memory_space<hbm>>
    %dma_wait3A_726 = tpu.memref_slice %arg6[%add3A_722] : memref<16384xf32, #tpu.memory_space<hbm>> -> memref<1024xf32, #tpu.memory_space<hbm>>
    tpu.wait_dma2 semaphore(%arg13 : memref<!tpu.dma_semaphore, #tpu.memory_space<semaphore_mem>>) src(%arg9 : memref<1024xf32, #tpu.memory_space<vmem>>) dst(%dma_wait3A_726 : memref<1024xf32, #tpu.memory_space<hbm>>)
    return
  }
}

</mosaic_0001>

<sc_bundles>
// kernel: kernel.3.cloned.1.call-start
scs
__scs_entry_jumppad:
0x0: {  	(pc) =	sbr.rel $0x88, $3  }
0x1: {  	(tag) =	ssettag $0x0;
	lr =	simm.s32 $0x1  }
0x2: {  	[smem:$0x3F9D] =	sst lr;
	_ =	strace $0xD0000000  }
0x3: {  	_ = 	snop  }
0x4: {  	_ = 	snop  }
0x5: {  	_ = 	snop  }
0x6: {  	_ = 	snop  }
0x7: {  	_ = 	snop  }
__scs_overlays_trampoline_lowered:
0x8: {  	[smem:$0x3FAC] =	sst s0  }
0x9: {  	[smem:$0x3FAD] =	sst s1  }
0xa: {  	[smem:$0x3FAE] =	sst s2  }
0xb: {  	[smem:$0x3FAF] =	sst s3  }
0xc: {  	[smem:$0x3FB0] =	sst s4  }
0xd: {  	[smem:$0x3FB1] =	sst s5  }
0xe: {  	[smem:$0x3FB2] =	sst s6  }
0xf: {  	[smem:$0x3FB3] =	sst s7  }
0x10: {  	[smem:$0x3FB4] =	sst s8  }
0x11: {  	[smem:$0x3FB5] =	sst s9;
	s0 =	simm.s32 @!p0 $0x0  }
0x12: {  	s1 =	sld [smem:$0x3F9B];
	s0 =	simm.s32 @p0 $0x1  }
0x13: {  	[smem:$0x3FB6] =	sst s0;
	s0 =	simm.s32 @!p1 $0x0  }
0x14: {  	s2 =	sld [smem:$0x3F9A];
	s0 =	simm.s32 @p1 $0x1  }
0x15: {  	[smem:$0x3FB7] =	sst s0;
	s0 =	simm.s32 @!p2 $0x0  }
0x16: {  	s3 =	sld [smem:$0x3FDB];
	s0 =	simm.s32 @p2 $0x1  }
0x17: {  	s4 =	simm.s32 $0x1BF5;
	[smem:$0x3FB9] =	sst s0  }
0x18: {  	s0 =	sld [smem:$0x3F9C];
	_ =	swait.ge [sflag:s4], $0x0  }
0x19: {  	s7 =	sld [smem:$0x3F9D]  }
0x1a: {  	s8 =	sadd.s32 $0xFFFFE003, lr  }
0x1b: {  	s9 =	sadd.s32 $0xFFFFFEF7, lr;
	s5 =	simm.s32 $0xFFFFFFFF;
	p2 =	slt.u32 s8, $0xFFFFF086  }
0x1c: {  	p1 =	slt.u32 s9, $0xF7A;
	s5 =	simm.s32 @!p2 $0x0  }
0x1d: {  	s5 =	simm.s32 @p1 $0x1;
	p0 =	seq.s32 s7, s2  }
0x1e: {  	s7 =	smul.u32 @!p0 $0xF7A, s2;
	p2 =	seq.s32 @!p0 s5, $0x0  }
0x1f: {  	s9 =	smul.u32 $0xF7A, s1;
	s8 =	simm.s32 @!p0 $0x1BF5;
	p2 =	por !p2, p0  }
0x20: {  	[sflag:s8] =	ssyncset.s32 @!p0 $0xFFFFF086;
	s6 =	sadd.s32 @!p0 s3, s7;
	s7 =	simm.s32 @!p0 $0x108  }
0x21: {  	s3 =	sadd.s32 s3, s9;
	s6 =	sadd.s32 @!p0 $0x88, s6;
	s7 =	simm.s32 @p2 $0x1082  }
0x22: {  	[simem:s7], [sflag:s8] =	dma.local @!p0 [hbm:s6], $0xF7A  }
0x23: {  	s9 =	sor.u32 $0xD0000000, s2;
	s6 =	simm.s32 $0x108;
	_ =	swait.ge @!p0 [sflag:s8], $0x0  }
0x24: {  	s3 =	sadd.s32 $0x88, s3;
	s6 =	simm.s32 @!p1 $0x1082;
	[sflag:s4] =	ssyncset.s32 $0xFFFFF086  }
0x25: {  	[simem:s6], [sflag:s4] =	dma.local [hbm:s3], $0xF7A  }
0x26: {  	[smem:$0x3F9D] =	sst s1;
	(tag) =	ssettag s2;
	_ =	strace s9  }
0x27: {  	s1 =	sld [smem:$0x3FAD]  }
0x28: {  	s2 =	sld [smem:$0x3FAE]  }
0x29: {  	s4 =	sld [smem:$0x3FB0]  }
0x2a: {  	p0 =	seq.s32 s5, $0x0;
	s5 =	sld [smem:$0x3FB1]  }
0x2b: {  	s6 =	sld [smem:$0x3FB2]  }
0x2c: {  	s7 =	sld [smem:$0x3FB3]  }
0x2d: {  	s3 =	simm.s32 $0x108;
	s8 =	sld [smem:$0x3FB4]  }
0x2e: {  	s3 =	simm.s32 @!p0 $0x1082;
	s9 =	sld [smem:$0x3FB5]  }
0x2f: {  	lr =	sadd.s32 s0, s3;
	s0 =	sld [smem:$0x3FAC]  }
0x30: {  	s3 =	sld [smem:$0x3FAF]  }
0x31: {  	[smem:$0x3FB8] =	sst s10  }
0x32: {  	s10 =	sld [smem:$0x3FB6];
	_ =	sdelay $0x3  }
0x33: {  	p0 =	seq.s32 s10, $0x1;
	s10 =	sld [smem:$0x3FB8];
	_ =	sdelay $0x3  }
0x34: {  	[smem:$0x3FB8] =	sst s10  }
0x35: {  	s10 =	sld [smem:$0x3FB7];
	_ =	sdelay $0x3  }
0x36: {  	p1 =	seq.s32 s10, $0x1;
	s10 =	sld [smem:$0x3FB8];
	_ =	sdelay $0x3  }
0x37: {  	[smem:$0x3FB8] =	sst s10  }
0x38: {  	s10 =	sld [smem:$0x3FB9]  }
0x39: {  	_ = 	snop;
	(pc) =	sbr.ind lr, $3  }
0x3a: {  	_ = 	snop  }
0x3b: {  	_ = 	snop  }
0x3c: {  	p2 =	seq.s32 s10, $0x1;
	s10 =	sld [smem:$0x3FB8]  }
0x3d: {  	_ =	shalt  }
0x3e: {  	_ =	shalt  }
0x3f: {  	_ =	shalt  }
0x40: {  	_ =	shalt  }
0x41: {  	_ =	shalt  }
0x42: {  	_ =	shalt  }
0x43: {  	_ =	shalt  }
0x44: {  	_ =	shalt  }
0x45: {  	_ =	shalt  }
0x46: {  	_ =	shalt  }
0x47: {  	_ =	shalt  }
0x48: {  	_ =	shalt  }
0x49: {  	_ =	shalt  }
0x4a: {  	_ =	shalt  }
0x4b: {  	_ =	shalt  }
0x4c: {  	_ =	shalt  }
0x4d: {  	_ =	shalt  }
0x4e: {  	_ =	shalt  }
0x4f: {  	_ =	shalt  }
0x50: {  	_ =	shalt  }
0x51: {  	_ =	shalt  }
0x52: {  	_ =	shalt  }
0x53: {  	_ =	shalt  }
0x54: {  	_ =	shalt  }
0x55: {  	_ =	shalt  }
0x56: {  	_ =	shalt  }
0x57: {  	_ =	shalt  }
0x58: {  	_ =	shalt  }
0x59: {  	_ =	shalt  }
0x5a: {  	_ =	shalt  }
0x5b: {  	_ =	shalt  }
0x5c: {  	_ =	shalt  }
0x5d: {  	_ =	shalt  }
0x5e: {  	_ =	shalt  }
0x5f: {  	_ =	shalt  }
0x60: {  	_ =	shalt  }
0x61: {  	_ =	shalt  }
0x62: {  	_ =	shalt  }
0x63: {  	_ =	shalt  }
0x64: {  	_ =	shalt  }
0x65: {  	_ =	shalt  }
0x66: {  	_ =	shalt  }
0x67: {  	_ =	shalt  }
0x68: {  	_ =	shalt  }
0x69: {  	_ =	shalt  }
0x6a: {  	_ =	shalt  }
0x6b: {  	_ =	shalt  }
0x6c: {  	_ =	shalt  }
0x6d: {  	_ =	shalt  }
0x6e: {  	_ =	shalt  }
0x6f: {  	_ =	shalt  }
0x70: {  	_ =	shalt  }
0x71: {  	_ =	shalt  }
0x72: {  	_ =	shalt  }
0x73: {  	_ =	shalt  }
0x74: {  	_ =	shalt  }
0x75: {  	_ =	shalt  }
0x76: {  	_ =	shalt  }
0x77: {  	_ =	shalt  }
0x78: {  	_ =	shalt  }
0x79: {  	_ =	shalt  }
0x7a: {  	_ =	shalt  }
0x7b: {  	_ =	shalt  }
0x7c: {  	_ =	shalt  }
0x7d: {  	_ =	shalt  }
0x7e: {  	_ =	shalt  }
0x7f: {  	_ =	shalt  }
0x80: {  	_ =	shalt  }
0x81: {  	_ =	shalt  }
0x82: {  	_ =	shalt  }
0x83: {  	_ =	shalt  }
0x84: {  	_ =	shalt  }
0x85: {  	_ =	shalt  }
0x86: {  	_ =	shalt  }
0x87: {  	_ =	shalt  }
.Lfunc_end0:
.L_simem_size_0:
called_computation_lowered:
.L_overlay_start_0:
0x88: {  	s0 =	sld [smem:$0x3FD9]  }
0x89: {  	s1 =	sld [smem:$0x3FFE];
	_ =	sdelay $0x3  }
0x8a: {  	s0 =	sadd.s32 s1, s0  }
0x8b: {  	[smem:$0x3FC4] =	sst s0  }
0x8c: {  	_ = 	snop  }
0x8d: {  	s0 =	sld [smem:$0x3FC9]  }
0x8e: {  	s17 =	sld [smem:$0x3FC8]  }
0x8f: {  	s2 =	sld [smem:$0x3FC7]  }
0x90: {  	s3 =	sld [smem:$0x3FC6]  }
0x91: {  	s4 =	sld [smem:$0x3FD0];
	(tm) =	ssettm $0x1  }
0x92: {  	s5 =	sld [smem:$0x3FFB];
	_ =	sdelay $0x3  }
0x93: {  	_ =	strace s5  }
0x94: {  	s5 =	sld [smem:$0x3FFC];
	_ =	sdelay $0x3  }
0x95: {  	_ =	strace s5  }
0x96: {  	s5 =	sld [smem:$0x3FFD];
	_ =	sdelay $0x3  }
0x97: {  	_ =	strace s5  }
0x98: {  	_ =	strace $0x8FFFFFFF  }
0x99: {  	s18 =	sld [smem:$0x3FDB];
	_ =	sdelay $0x1  }
0x9a: {  	s6 =	simm.s32 $_scs_section_size  }
0x9b: {  	s7 =	simm.s32 $_size__tile_overlayer_lowered;
	s8 =	simm.s32 $_tile_overlayer_lowered  }
0x9c: {  	s21 =	simm.s32 $0x1BFF;
	s20 =	sshll.u32 s8, $0x1;
	s5 =	sadd.s32 s6, s18  }
0x9d: {  	s9 =	simm.s32 $0x0;
	s19 =	sshll.u32 s7, $0x1;
	s7 =	sadd.s32 s20, s5  }
0x9e: {  	[timem:s9], [sflag:s21] =	dma.local [hbm:s7], s19  }
0x9f: {  	_ =	swait.ge [sflag:s21], s19  }
0xa0: {  	s6 =	ssub.s32 $0x0, s19;
	[sflag:s21] =	ssyncset.done $0x0  }
0xa1: {  	[sflag:s21] =	ssyncadd.s32 s6;
	_ =	sdelay $0x1  }
0xa2: {  	s22 =	simm.s32 $0x1B8B  }
0xa3: {  	_ =	swait.ge [sflag:s22], $0x1  }
0xa4: {  	[sflag:s22] =	ssyncset.done $0x0  }
0xa5: {  	s23 =	simm.s32 $0x1B8E;
	[sflag:s22] =	ssyncadd.s32 $0xFFFFFFFF  }
0xa6: {  	s24 =	simm.s32 $execute0_lowered;
	[smem:$0x3FD2] =	sst s23  }
0xa7: {  	s6 =	sshll.u32 s24, $0x1;
	_ =	strace $0x80000046;
	[dreg:$0x1] =	wrdreg $0xFFFFFFFF  }
0xa8: {  	s25 =	simm.s32 $_size_execute0_lowered;
	s5 =	sadd.s32 s5, s6;
	[dreg:$0x0] =	wrdreg $0x0  }
0xa9: {  	s6 =	sshll.u32 s25, $0x1;
	[dreg:$0x2] =	wrdreg s5  }
0xaa: {  	[dreg:$0x3] =	wrdreg s6  }
0xab: {  	[dreg:$0x4] =	wrdreg $0xC0  }
0xac: {  	_ =	task [dreg:s9], $0x5FFFF  }
0xad: {  	[dreg:$0x1] =	wrdreg $0xFFFFFFFF  }
0xae: {  	[dreg:$0x0] =	wrdreg $0x60  }
0xaf: {  	[dreg:$0x2] =	wrdreg s0  }
0xb0: {  	[dreg:$0x3] =	wrdreg s17  }
0xb1: {  	[dreg:$0x4] =	wrdreg s2  }
0xb2: {  	[dreg:$0x5] =	wrdreg s3  }
0xb3: {  	[dreg:$0x6] =	wrdreg s4  }
0xb4: {  	[dreg:$0x7] =	wrdreg $0x9  }
0xb5: {  	_ =	task.clear_ibuf [dreg:s9], $0x8FFFF;
	_ =	strace $0x90000046  }
0xb6: {  	s26 =	simm.s32 $0x9;
	_ =	strace $0x80000048  }
0xb7: {  	_ =	swait.ge [sflag:s26], $0x1  }
0xb8: {  	[sflag:s26] =	ssyncadd.s32 $0xFFFFFFFF  }
0xb9: {  	_ =	strace $0x90000048  }
0xba: {  	_ =	sfence  }
0xbb: {  	s28 =	sld [smem:$0x0];
	_ =	sdelay $0x1  }
0xbc: {  	s29 =	srdreg.scid  }
0xbd: {  	s30 =	sshll.u32 s29, $0xD;
	s31 =	sshrl.u32 s29, $0x2  }
0xbe: {  	s1 =	sand.u32 $0x1, s29;
	s2 =	sand.u32 $0x4000, s30;
	s0 =	sadd.s32 s31, s28  }
0xbf: {  	s1 =	sor.u32 s2, s1;
	s0 =	sshll.u32 s0, $0x11  }
0xc0: {  	s0 =	sor.u32 s0, s1  }
0xc1: {  	s0 =	sadd.s32 $0x8F2B, s0  }
0xc2: {  	[sflag:s0] =	ssyncadd.remote.s32 $0x1  }
0xc3: {  	_ =	sfence.sel $0xFFFF  }
0xc4: {  	[dreg:$0x0] =	wrdreg $0xFFFFFFFF;
	(pc) =	sbr.abs _section_cstart, $3  }
0xc5: {  	[dreg:$0x1] =	wrdreg $0xFFFFFFFF  }
0xc6: {  	_ =	task.clear_ibuf [dreg:s9], $0x2FFFF;
	_ =	strace $0x9FFFFFFF  }
0xc7: {  	(tm) =	ssettm $0x7FFFFFFF  }
tec
execute0_lowered:
.L_overlay_start_1:
0x0: {  	(tag) =	ssettag $0x1  }
0x1: {  	s5 =	rddreg [dreg:$0x0]  }
0x2: {  	s6 =	rddreg [dreg:$0x1]  }
0x3: {  	s7 =	rddreg [dreg:$0x2]  }
0x4: {  	s8 =	rddreg [dreg:$0x3]  }
0x5: {  	s2 =	rddreg [dreg:$0x4];
	s3 =	simm.s32 $0x0;
	s1 =	stileid.u32  }
0x6: {  	[smem:$0x7FF] =	sst s3;
	s4 =	sshll.u32 s1, $0x7  }
0x7: {  	s0 =	rddreg [dreg:$0x5];
	_ =	strace $0x80000047;
	s5 =	sadd.s32 s5, s4  }
0x8: {  	[tilespmem:s3], [sflag:$0x1] =	stream.linear.gather [hbm4b:s5+s3], $0x400, $0x38;
	[tilespmem:$0x1000] =	vst v63  }
0x9: {  	s25 =	simm.s32 $0x400;
	s26 =	simm.s32 $0x1;
	s24 =	sadd.s32 s6, s4  }
0xa: {  	[tilespmem:s25], [sflag:$0x1] =	stream.linear.gather [hbm4b:s24+s3], $0x400, $0x38;
	[tilespmem:$0x1000] =	vst v63  }
0xb: {  	_ =	swait.ge [sflag:s26], $0x400  }
0xc: {  	[sflag:s26] =	ssyncset.done $0x0  }
0xd: {  	[sflag:s26] =	ssyncadd.s32 $0xFFFFFC00  }
0xe: {  	_ =	swait.ge [sflag:s26], $0x400  }
0xf: {  	[sflag:s26] =	ssyncset.done $0x0  }
0x10: {  	s28 =	simm.s32 $0x800;
	[sflag:s26] =	ssyncadd.s32 $0xFFFFFC00  }
0x11: {  	[tilespmem:s28], [sflag:$0x2] =	stream.indirect.gather [hbm4b:s7+s25], $0x1, s3, s25, $0xb8;
	[tilespmem:$0x1000] =	vst v63  }
0x12: {  	s29 =	simm.s32 $0xC00;
	s30 =	simm.s32 $0x2  }
0x13: {  	[tilespmem:s29], [sflag:$0x2] =	stream.indirect.gather [hbm4b:s8+s25], $0x1, s25, s25, $0xb8;
	[tilespmem:$0x1000] =	vst v63  }
0x14: {  	_ =	swait.ge [sflag:s30], $0x400  }
0x15: {  	[sflag:s30] =	ssyncset.done $0x0  }
0x16: {  	[sflag:s30] =	ssyncadd.s32 $0xFFFFFC00  }
0x17: {  	_ =	swait.ge [sflag:s30], $0x400  }
0x18: {  	[sflag:s30] =	ssyncset.done $0x0  }
0x19: {  	[sflag:s30] =	ssyncadd.s32 $0xFFFFFC00  }
0x1a: {  	v0 =	vld [tilespmem:$0x800]  }
0x1b: {  	v1 =	vld [tilespmem:$0xC00]  }
0x1c: {  	v2 =	vld [tilespmem:$0x810]  }
0x1d: {  	v3 =	vld [tilespmem:$0xC10]  }
0x1e: {  	v4 =	vld [tilespmem:$0x820]  }
0x1f: {  	v5 =	vld [tilespmem:$0xC20]  }
0x20: {  	v6 =	vld [tilespmem:$0x830]  }
0x21: {  	v7 =	vld [tilespmem:$0xC30]  }
0x22: {  	v8 =	vld [tilespmem:$0x840]  }
0x23: {  	v9 =	vld [tilespmem:$0xC40]  }
0x24: {  	v10 =	vld [tilespmem:$0x850]  }
0x25: {  	v11 =	vld [tilespmem:$0xC50]  }
0x26: {  	v12 =	vld [tilespmem:$0x860]  }
0x27: {  	v13 =	vld [tilespmem:$0xC60]  }
0x28: {  	v14 =	vld [tilespmem:$0x870]  }
0x29: {  	v15 =	vld [tilespmem:$0xC70]  }
0x2a: {  	v16 =	vld [tilespmem:$0x880]  }
0x2b: {  	v17 =	vld [tilespmem:$0xC80]  }
0x2c: {  	v18 =	vld [tilespmem:$0x890]  }
0x2d: {  	v19 =	vld [tilespmem:$0xC90]  }
0x2e: {  	v20 =	vld [tilespmem:$0x8A0]  }
0x2f: {  	v21 =	vld [tilespmem:$0xCA0]  }
0x30: {  	v22 =	vld [tilespmem:$0x8B0]  }
0x31: {  	v23 =	vld [tilespmem:$0xCB0]  }
0x32: {  	v24 =	vld [tilespmem:$0x8C0]  }
0x33: {  	v25 =	vld [tilespmem:$0xCC0]  }
0x34: {  	v26 =	vld [tilespmem:$0x8D0]  }
0x35: {  	v27 =	vld [tilespmem:$0xCD0]  }
0x36: {  	v28 =	vld [tilespmem:$0x8E0]  }
0x37: {  	v29 =	vld [tilespmem:$0xCE0]  }
0x38: {  	v30 =	vld [tilespmem:$0x8F0]  }
0x39: {  	v31 =	vld [tilespmem:$0xCF0]  }
0x3a: {  	v32 =	vld [tilespmem:$0x900]  }
0x3b: {  	v33 =	vld [tilespmem:$0xD00]  }
0x3c: {  	v34 =	vld [tilespmem:$0x910]  }
0x3d: {  	v35 =	vld [tilespmem:$0xD10]  }
0x3e: {  	v36 =	vld [tilespmem:$0x920]  }
0x3f: {  	v37 =	vld [tilespmem:$0xD20]  }
0x40: {  	v38 =	vld [tilespmem:$0x930]  }
0x41: {  	v39 =	vld [tilespmem:$0xD30]  }
0x42: {  	v40 =	vld [tilespmem:$0x940]  }
0x43: {  	v41 =	vld [tilespmem:$0xD40]  }
0x44: {  	v42 =	vld [tilespmem:$0x950]  }
0x45: {  	v43 =	vld [tilespmem:$0xD50]  }
0x46: {  	v44 =	vld [tilespmem:$0x960]  }
0x47: {  	v45 =	vld [tilespmem:$0xD60]  }
0x48: {  	v46 =	vld [tilespmem:$0x970]  }
0x49: {  	v47 =	vld [tilespmem:$0xD70]  }
0x4a: {  	v48 =	vld [tilespmem:$0x980]  }
0x4b: {  	v49 =	vld [tilespmem:$0xD80]  }
0x4c: {  	v50 =	vld [tilespmem:$0x990]  }
0x4d: {  	v51 =	vld [tilespmem:$0xD90]  }
0x4e: {  	v52 =	vld [tilespmem:$0x9A0]  }
0x4f: {  	v53 =	vld [tilespmem:$0xDA0]  }
0x50: {  	v54 =	vld [tilespmem:$0x9B0]  }
0x51: {  	v55 =	vld [tilespmem:$0xDB0]  }
0x52: {  	v56 =	vld [tilespmem:$0x9C0]  }
0x53: {  	v57 =	vld [tilespmem:$0xDC0]  }
0x54: {  	v58 =	vld [tilespmem:$0x9D0]  }
0x55: {  	v62 =	vld [tilespmem:$0x9F0]  }
0x56: {  	v59 =	vld [tilespmem:$0xDD0]  }
0x57: {  	v60 =	vld [tilespmem:$0x9E0]  }
0x58: {  	v61 =	vld [tilespmem:$0xDE0]  }
0x59: {  	v63 =	vld [tilespmem:$0xDF0]  }
0x5a: {  	[tilespmem:$0x1FFA0] =	vst v62;
	v62 =	vld [tilespmem:$0xA00]  }
0x5b: {  	v0 =	vadd.f32 v1, v0;
	v1 =	vld [tilespmem:$0xE20]  }
0x5c: {  	v2 =	vadd.f32 v3, v2;
	v3 =	vld [tilespmem:$0xA30]  }
0x5d: {  	v9 =	vadd.f32 v9, v8;
	v8 =	vld [tilespmem:$0xE50]  }
0x5e: {  	v13 =	vadd.f32 v13, v12;
	v12 =	vld [tilespmem:$0xE70]  }
0x5f: {  	v15 =	vadd.f32 v15, v14;
	v14 =	vld [tilespmem:$0xE80]  }
0x60: {  	v17 =	vadd.f32 v17, v16;
	v16 =	vld [tilespmem:$0xE90]  }
0x61: {  	v19 =	vadd.f32 v19, v18;
	v18 =	vld [tilespmem:$0xEA0]  }
0x62: {  	v23 =	vadd.f32 v23, v22;
	v22 =	vld [tilespmem:$0xEC0];
	[tilespmem:$0x800] =	vst v0  }
0x63: {  	v25 =	vadd.f32 v25, v24;
	v24 =	vld [tilespmem:$0xED0];
	[tilespmem:$0x810] =	vst v2  }
0x64: {  	v21 =	vadd.f32 v21, v20;
	v27 =	vadd.f32 v27, v26;
	v26 =	vld [tilespmem:$0xEE0];
	[tilespmem:$0x840] =	vst v9  }
0x65: {  	v31 =	vadd.f32 v31, v30;
	v30 =	vadd.f32 v45, v44;
	v45 =	vld [tilespmem:$0xF30];
	[tilespmem:$0x860] =	vst v13  }
0x66: {  	v33 =	vadd.f32 v33, v32;
	v32 =	vadd.f32 v49, v48;
	v49 =	vld [tilespmem:$0xF40];
	[tilespmem:$0x870] =	vst v15  }
0x67: {  	v35 =	vadd.f32 v35, v34;
	v34 =	vadd.f32 v53, v52;
	v53 =	vld [tilespmem:$0xF50];
	[tilespmem:$0x880] =	vst v17  }
0x68: {  	v37 =	vadd.f32 v37, v36;
	v36 =	vadd.f32 v57, v56;
	v57 =	vld [tilespmem:$0xF60];
	[tilespmem:$0x890] =	vst v19  }
0x69: {  	v0 =	vadd.f32 v5, v4;
	v4 =	vld [tilespmem:$0xE30];
	[tilespmem:$0x8A0] =	vst v21  }
0x6a: {  	v5 =	vld [tilespmem:$0xA40];
	[tilespmem:$0x8B0] =	vst v23  }
0x6b: {  	v29 =	vadd.f32 v29, v28;
	v9 =	vld [tilespmem:$0xA60];
	[tilespmem:$0x8C0] =	vst v25  }
0x6c: {  	v13 =	vld [tilespmem:$0xA80];
	[tilespmem:$0x8D0] =	vst v27  }
0x6d: {  	v15 =	vld [tilespmem:$0xA90];
	[tilespmem:$0x8E0] =	vst v29  }
0x6e: {  	v17 =	vld [tilespmem:$0xAA0];
	[tilespmem:$0x8F0] =	vst v31  }
0x6f: {  	v19 =	vld [tilespmem:$0xAB0];
	[tilespmem:$0x900] =	vst v33  }
0x70: {  	v28 =	vadd.f32 v41, v40;
	[tilespmem:$0x910] =	vst v35;
	v21 =	vld [tilespmem:$0xAC0]  }
0x71: {  	[tilespmem:$0x920] =	vst v37;
	v23 =	vld [tilespmem:$0xAD0]  }
0x72: {  	[tilespmem:$0x940] =	vst v28;
	v25 =	vld [tilespmem:$0xAE0]  }
0x73: {  	[tilespmem:$0x960] =	vst v30;
	v28 =	vld [tilespmem:$0xEF0]  }
0x74: {  	[tilespmem:$0x980] =	vst v32;
	v30 =	vld [tilespmem:$0xF00]  }
0x75: {  	[tilespmem:$0x9A0] =	vst v34;
	v32 =	vld [tilespmem:$0xF10]  }
0x76: {  	v27 =	vadd.f32 v39, v38;
	[tilespmem:$0x9C0] =	vst v36;
	v39 =	vld [tilespmem:$0x1FFA0]  }
0x77: {  	v34 =	vld [tilespmem:$0xF20];
	[tilespmem:$0x820] =	vst v0  }
0x78: {  	v29 =	vadd.f32 v43, v42;
	v31 =	vadd.f32 v47, v46;
	v47 =	vld [tilespmem:$0xB40];
	[tilespmem:$0x930] =	vst v27  }
0x79: {  	[tilespmem:$0x1FFB0] =	vst v62;
	v62 =	vld [tilespmem:$0xE00]  }
0x7a: {  	v33 =	vadd.f32 v51, v50;
	v51 =	vld [tilespmem:$0xB50];
	[tilespmem:$0x950] =	vst v29  }
0x7b: {  	v35 =	vadd.f32 v55, v54;
	v55 =	vld [tilespmem:$0xB60];
	[tilespmem:$0x970] =	vst v31  }
0x7c: {  	v37 =	vadd.f32 v59, v58;
	v59 =	vld [tilespmem:$0xB70];
	[tilespmem:$0x990] =	vst v33  }
0x7d: {  	v38 =	vadd.f32 v61, v60;
	v61 =	vld [tilespmem:$0xF70];
	[tilespmem:$0x9B0] =	vst v35  }
0x7e: {  	[tilespmem:$0x1FFC0] =	vst v62;
	v62 =	vld [tilespmem:$0xA10]  }
0x7f: {  	v27 =	vld [tilespmem:$0xAF0];
	[tilespmem:$0x9D0] =	vst v37;
	v2 =	vadd.f32 v63, v39  }
0x80: {  	v29 =	vld [tilespmem:$0xB00];
	[tilespmem:$0x9E0] =	vst v38;
	v46 =	vadd.f32 v4, v3  }
0x81: {  	v31 =	vld [tilespmem:$0xB10];
	[tilespmem:$0x9F0] =	vst v2  }
0x82: {  	v33 =	vld [tilespmem:$0xB20];
	v56 =	vadd.f32 v14, v13;
	[tilespmem:$0xA30] =	vst v46  }
0x83: {  	v58 =	vadd.f32 v16, v15;
	[tilespmem:$0x1FFD0] =	vst v62;
	v62 =	vld [tilespmem:$0xE10]  }
0x84: {  	v35 =	vld [tilespmem:$0xB30];
	v60 =	vadd.f32 v18, v17;
	[tilespmem:$0xA80] =	vst v56  }
0x85: {  	v37 =	vld [tilespmem:$0xBA0];
	v21 =	vadd.f32 v22, v21;
	[tilespmem:$0xA90] =	vst v58  }
0x86: {  	v40 =	vld [tilespmem:$0x1FFB0];
	[tilespmem:$0xAA0] =	vst v60  }
0x87: {  	v23 =	vadd.f32 v24, v23;
	[tilespmem:$0xAC0] =	vst v21;
	v41 =	vld [tilespmem:$0x1FFC0]  }
0x88: {  	v25 =	vadd.f32 v26, v25;
	[tilespmem:$0x1FFE0] =	vst v62;
	v62 =	vld [tilespmem:$0xA20]  }
0x89: {  	[tilespmem:$0xAD0] =	vst v23;
	v36 =	vadd.f32 v28, v27;
	v42 =	vld [tilespmem:$0x1FFD0]  }
0x8a: {  	[tilespmem:$0xAE0] =	vst v25;
	v38 =	vadd.f32 v30, v29;
	v43 =	vld [tilespmem:$0x1FFE0]  }
0x8b: {  	v63 =	vld [tilespmem:$0xB80];
	[tilespmem:$0xAF0] =	vst v36  }
0x8c: {  	v22 =	vld [tilespmem:$0xF80];
	[tilespmem:$0xB00] =	vst v38;
	v0 =	vadd.f32 v41, v40  }
0x8d: {  	v40 =	vadd.f32 v32, v31;
	[tilespmem:$0x1FFF0] =	vst v62;
	v62 =	vadd.f32 v7, v6;
	v6 =	vld [tilespmem:$0xE40]  }
0x8e: {  	[tilespmem:$0xA00] =	vst v0;
	v7 =	vld [tilespmem:$0xA50]  }
0x8f: {  	[tilespmem:$0xB10] =	vst v40;
	v2 =	vadd.f32 v43, v42;
	v44 =	vld [tilespmem:$0x1FFF0]  }
0x90: {  	v24 =	vld [tilespmem:$0xB90];
	v42 =	vadd.f32 v34, v33;
	[tilespmem:$0x830] =	vst v62  }
0x91: {  	v26 =	vld [tilespmem:$0xF90];
	v62 =	vadd.f32 v11, v10;
	[tilespmem:$0xA10] =	vst v2  }
0x92: {  	v39 =	vld [tilespmem:$0xFA0];
	[tilespmem:$0xB20] =	vst v42;
	v48 =	vadd.f32 v6, v5  }
0x93: {  	v46 =	vld [tilespmem:$0xFC0];
	[tilespmem:$0x850] =	vst v62;
	v50 =	vadd.f32 v8, v7  }
0x94: {  	v56 =	vld [tilespmem:$0xBF0];
	v0 =	vadd.f32 v1, v44;
	[tilespmem:$0xA40] =	vst v48  }
0x95: {  	v58 =	vld [tilespmem:$0xFF0];
	v1 =	vadd.f32 v45, v35;
	[tilespmem:$0xA50] =	vst v50  }
0x96: {  	v41 =	vld [tilespmem:$0xBB0];
	v45 =	vadd.f32 v49, v47;
	[tilespmem:$0xA20] =	vst v0  }
0x97: {  	v10 =	vld [tilespmem:$0xE60];
	v47 =	vadd.f32 v53, v51;
	[tilespmem:$0xB30] =	vst v1  }
0x98: {  	v11 =	vld [tilespmem:$0xA70];
	v49 =	vadd.f32 v57, v55;
	[tilespmem:$0xB40] =	vst v45  }
0x99: {  	v43 =	vld [tilespmem:$0xFB0];
	v51 =	vadd.f32 v61, v59;
	[tilespmem:$0xB50] =	vst v47  }
0x9a: {  	v62 =	vld [tilespmem:$0xEB0];
	v53 =	vadd.f32 v22, v63;
	[tilespmem:$0xB60] =	vst v49  }
0x9b: {  	v44 =	vld [tilespmem:$0xBC0];
	v55 =	vadd.f32 v26, v24;
	[tilespmem:$0xB70] =	vst v51  }
0x9c: {  	v52 =	vadd.f32 v10, v9;
	v48 =	vld [tilespmem:$0xBD0];
	[tilespmem:$0xB80] =	vst v53  }
0x9d: {  	v54 =	vadd.f32 v12, v11;
	v50 =	vld [tilespmem:$0xFD0];
	[tilespmem:$0xB90] =	vst v55  }
0x9e: {  	v57 =	vadd.f32 v39, v37;
	[tilespmem:$0xA60] =	vst v52;
	v52 =	vld [tilespmem:$0xBE0]  }
0x9f: {  	v59 =	vadd.f32 v43, v41;
	[tilespmem:$0xA70] =	vst v54;
	v54 =	vld [tilespmem:$0xFE0]  }
0xa0: {  	v63 =	vadd.f32 v58, v56;
	[tilespmem:$0xBA0] =	vst v57  }
0xa1: {  	[tilespmem:$0xBB0] =	vst v59;
	v62 =	vadd.f32 v62, v19  }
0xa2: {  	[tilespmem:$0xBF0] =	vst v63;
	v60 =	vadd.f32 v46, v44  }
0xa3: {  	[tilespmem:$0xAB0] =	vst v62;
	v61 =	vadd.f32 v50, v48  }
0xa4: {  	[tilespmem:$0xBC0] =	vst v60;
	v62 =	vadd.f32 v54, v52  }
0xa5: {  	[tilespmem:$0xBD0] =	vst v61  }
0xa6: {  	s31 =	simm.s32 $0x3;
	s2 =	sadd.s32 s2, s4;
	[tilespmem:$0xBE0] =	vst v62  }
0xa7: {  	[hbm4b:s2+s3] =	stream.linear.scatter [tilespmem:s28], [sflag:$0x3], $0x400, $0x38;
	[tilespmem:$0x1000] =	vst v63  }
0xa8: {  	_ =	swait.ge [sflag:s31], $0x400  }
0xa9: {  	[sflag:s31] =	ssyncset.done $0x0  }
0xaa: {  	[sflag:s31] =	ssyncadd.s32 $0xFFFFFC00  }
0xab: {  	_ =	sfence.sel $0x180000  }
0xac: {  	[bflag:$0x0] =	sbarrier.arrive $0xFFFF  }
0xad: {  	p0 =	sne.s32 s1, $0x0;
	_ =	strace $0x90000047  }
0xae: {  	s0 =	sadd.s32 @!p0 $0x100000, s0;
	[bflag:$0x2] =	sbarrier.arrive $0xFFFF  }
0xaf: {  	[sflag:s0] =	ssyncadd.tile.s32 @!p0 $0x1;
	_ =	shalt  }
.Lfunc_end2:
_tile_overlayer_lowered:
.L_overlay_start_2:
0xb0: {  	(tag) =	ssettag $0x2  }
0xb1: {  	s0 =	rddreg [dreg:$0x0];
	s2 =	stileid.u32  }
0xb2: {  	s1 =	rddreg [dreg:$0x1];
	p0 =	sne.s32 s2, $0x0  }
0xb3: {  	s3 =	rddreg [dreg:$0x2];
	[bflag:$0x3] =	sbarrier.arrive $0xFFFF;
	s2 =	simm.s32 @!p0 $0x1C04  }
0xb4: {  	[timem:s3], [sflag:s2] =	dma.local @!p0 [hbm:s0], s1  }
0xb5: {  	s0 =	simm.s32 @!p0 $0x4  }
0xb6: {  	_ =	swait.ge @!p0 [sflag:s0], s1  }
0xb7: {  	s1 =	ssub.s32 @!p0 $0x0, s1;
	[sflag:s0] =	ssyncset.done @!p0 $0x0  }
0xb8: {  	[sflag:s0] =	ssyncadd.s32 @!p0 s1  }
0xb9: {  	[bflag:$0x3] =	sbarrier.arrive $0xFFFF  }
0xba: {  	_ =	shalt  }

</sc_bundles>
